<compile_context>
chip_gen: v7x
topology: tpu7x:2x2x1
jax: 0.10.2.dev20260603
libtpu: 0.0.44.dev20260713+nightly
codegen_flags: <defaults>
</compile_context>

<pallas_src>
import dataclasses

import jax
import jax.numpy as jnp
from jax import lax
from jax.experimental import pallas as pl
from jax.experimental.pallas import tpu as pltpu
from jax.experimental.pallas import tpu_sc as plsc

_N = 10000
_E = 320000
_D = 128
_T = 512
_NT = 32
_EPT_LO = 78 * 128
_EPT_HI = 79 * 128
_NHI = 4
_BLK = 2560
_NB = (_N + _BLK - 1) // _BLK
_VL = 16


def _sc_hist_body(ei_hbm, ph_hbm, sd_v, hist_v, sem):
    wid = lax.axis_index("s") * 2 + lax.axis_index("c")
    base = pl.multiple_of(
        wid * _EPT_LO + jnp.minimum(wid, _NHI) * 128, 128)

    def chunk(n_edges):
        c_sd = pltpu.async_copy(
            ei_hbm.at[:, pl.ds(base, n_edges)],
            sd_v.at[:, pl.ds(0, n_edges)], sem)

        zeros = jnp.zeros((_VL,), jnp.int32)

        @pl.loop(0, _N - _N % (8 * _VL), step=8 * _VL)
        def _(i):
            for k in range(8):
                hist_v[pl.ds(i + k * _VL, _VL)] = zeros

        @pl.loop(_N - _N % (8 * _VL), _N, step=_VL)
        def _(i):
            hist_v[pl.ds(i, _VL)] = zeros

        c_sd.wait()

        @pl.loop(0, n_edges, step=8 * _VL)
        def _(i):
            svs = [sd_v[0, pl.ds(i + k * _VL, _VL)] for k in range(8)]
            dvs = [sd_v[1, pl.ds(i + k * _VL, _VL)] for k in range(8)]
            scs = [plsc.scan_count(s) for s in svs]
            dcs = [plsc.scan_count(d) for d in dvs]
            for (s, (cnt, last)) in zip(svs, scs):
                plsc.addupdate_scatter(hist_v, [s], cnt << 16, mask=last)
            for (d, (cnt, last)) in zip(dvs, dcs):
                plsc.addupdate_scatter(hist_v, [d], cnt, mask=last)

    @pl.when(wid < _NHI)
    def _():
        chunk(_EPT_HI)

    @pl.when(wid >= _NHI)
    def _():
        chunk(_EPT_LO)

    c_h = pltpu.async_copy(hist_v, ph_hbm.at[wid], sem)
    c_h.wait()


def _make_sc_hist():
    mesh = plsc.VectorSubcoreMesh(core_axis_name="c", subcore_axis_name="s")
    part = jax.ShapeDtypeStruct((_NT, _N), jnp.int32)
    cp = pltpu.CompilerParams()
    if "needs_layout_passes" in pltpu.CompilerParams.__dataclass_fields__:
        cp = dataclasses.replace(cp, needs_layout_passes=False)
    return pl.kernel(
        _sc_hist_body,
        out_type=part,
        mesh=mesh,
        compiler_params=cp,
        scratch_types=[
            pltpu.VMEM((2, _EPT_HI), jnp.int32),
            pltpu.VMEM((_N,), jnp.int32),
            pltpu.SemaphoreType.DMA,
        ],
    )


_DN_REDUCE = (((0,), (0,)), ((), ()))
_DN_MM = (((1,), (0,)), ((), ()))


def _tc_body(ph_ref, x_ref, zih_ref, zoh_ref, o_ref):
    ones = jnp.ones((_NT, 1), jnp.bfloat16)
    p = ph_ref[...]

    def deg_col(q):
        lo = (q & 255).astype(jnp.bfloat16)
        hi = ((q >> 8) & 255).astype(jnp.bfloat16)
        s = lax.dot_general(lo, ones, _DN_REDUCE,
                            preferred_element_type=jnp.float32)
        s = s + 256.0 * lax.dot_general(hi, ones, _DN_REDUCE,
                                        preferred_element_type=jnp.float32)
        return jnp.minimum(s, float(_T - 1)).astype(jnp.int32)

    di = deg_col(p & 0xFFFF)
    do = deg_col(p >> 16)
    iota = lax.broadcasted_iota(jnp.int32, (_BLK, _T), 1)
    ohi = (di == iota).astype(jnp.bfloat16)
    oho = (do == iota).astype(jnp.bfloat16)
    acc = x_ref[...]
    acc = acc + lax.dot_general(ohi, zih_ref[...], _DN_MM,
                                preferred_element_type=jnp.float32)
    acc = acc + lax.dot_general(oho, zoh_ref[...], _DN_MM,
                                preferred_element_type=jnp.float32)
    o_ref[...] = acc


def _tc_combine(ph, x, zih, zoh):
    part_spec = pl.BlockSpec((_NT, _BLK), lambda i: (0, i))
    row_spec = pl.BlockSpec((_BLK, _D), lambda i: (i, 0))
    tab_spec = pl.BlockSpec((_T, _D), lambda i: (0, 0))
    return pl.pallas_call(
        _tc_body,
        grid=(_NB,),
        in_specs=[part_spec, row_spec, tab_spec, tab_spec],
        out_specs=row_spec,
        out_shape=jax.ShapeDtypeStruct((_N, _D), jnp.float32),
    )(ph, x, zih, zoh)


def kernel(x, edge_index, z_in, z_out):
    ph = _make_sc_hist()(edge_index)
    zih = z_in.astype(jnp.bfloat16)
    zoh = z_out.astype(jnp.bfloat16)
    return _tc_combine(ph, x, zih, zoh)

# --- scband reference (transcript-rebuilt; emitter-appended) ---
"""Pipeline reference for scband-centrality-encoding-3289944949214 (READ-ONLY COPY).

The authoritative reference and input builder live on the scoring server;
editing this copy changes nothing except your own understanding.
"""

import jax, jax.numpy as jnp
import numpy as np

MAX_IN_DEGREE = 512
MAX_OUT_DEGREE = 512
NODE_DIM = 128
NUM_NODES = 10000
NUM_EDGES = 320000


def setup_inputs(seed: int = 0) -> dict:
    key = jax.random.key(seed)
    k1, k2, k3, k4 = jax.random.split(key, 4)
    x = jax.random.normal(k1, (NUM_NODES, NODE_DIM), dtype=jnp.float32)
    edge_index = jax.random.randint(k2, (2, NUM_EDGES), 0, NUM_NODES, dtype=jnp.int32)
    z_in = jax.random.normal(k3, (MAX_IN_DEGREE, NODE_DIM), dtype=jnp.float32)
    z_out = jax.random.normal(k4, (MAX_OUT_DEGREE, NODE_DIM), dtype=jnp.float32)
    return {"x": x, "edge_index": edge_index, "z_in": z_in, "z_out": z_out}


def reference(x, edge_index, z_in, z_out):
    num_nodes = x.shape[0]
    # degree(index=edge_index[1]) -> count of incoming edges per dst node
    in_degree = jnp.bincount(edge_index[1], length=num_nodes)
    out_degree = jnp.bincount(edge_index[0], length=num_nodes)
    # decrease_to_max_value clamps degrees so they index into the tables
    in_degree = jnp.minimum(in_degree, MAX_IN_DEGREE - 1).astype(jnp.int32)
    out_degree = jnp.minimum(out_degree, MAX_OUT_DEGREE - 1).astype(jnp.int32)
    # centrality encoding: gather per-degree embeddings and add to node features
    x = x + jnp.take(z_in, in_degree, axis=0) + jnp.take(z_out, out_degree, axis=0)
    return x

if __name__ == "__main__":
    import jax
    _d = setup_inputs()
    print(jax.jit(kernel)(*tuple(_d.values())))

</pallas_src>

<mosaic_0001>
#map = affine_map<(d0, d1) -> (0, 0)>
module attributes {stable_mosaic.version = 14 : i64} {
  func.func @_sc_hist_body(%arg0: i32, %arg1: i32, %arg2: memref<2x320000xi32, #tpu.memory_space<hbm>>, %arg3: memref<32x10000xi32, #tpu.memory_space<hbm>>, %arg4: memref<2x10112xi32, #tpu.memory_space<vmem>>, %arg5: memref<10000xi32, #tpu.memory_space<vmem>>, %arg6: memref<!tpu.dma_semaphore, #tpu.memory_space<semaphore_mem>>) attributes {dimension_semantics = [#tpu.dimension_semantics<core_parallel>, #tpu.dimension_semantics<subcore_parallel>], iteration_bounds = array<i64: 2, 16>, scalar_prefetch = 0 : i64, scratch_operands = 3 : i64, tpu.core_type = #tpu.core_type<sc_vector_subcore>, window_params = [{transform_indices = #map}, {transform_indices = #map}]} {
    %mul3A = arith.constant 2 : i32
    %mul3A_0 = arith.muli %arg1, %mul3A : i32
    %add3A = arith.addi %mul3A_0, %arg0 : i32
    %mul3A_1 = arith.constant 9984 : i32
    %mul3A_2 = arith.muli %add3A, %mul3A_1 : i32
    %min3A = arith.constant 4 : i32
    %min3A_3 = arith.minsi %add3A, %min3A : i32
    %mul3A_4 = arith.constant 128 : i32
    %mul3A_5 = arith.muli %min3A_3, %mul3A_4 : i32
    %add3A_6 = arith.addi %mul3A_2, %mul3A_5 : i32
    %multiple_of3A = tpu.assume_multiple %add3A_6, 128 : i32
    %lt3A = arith.constant 4 : i32
    %lt3A_7 = arith.cmpi slt, %add3A, %lt3A : i32
    %convert_element_type3A = arith.extui %lt3A_7 : i1 to i32
    %cond3A = arith.constant 0 : i32
    %cond3A_8 = arith.cmpi ne, %convert_element_type3A, %cond3A : i32
    scf.if %cond3A_8 {
      %dma_start3A_23 = arith.constant 0 : i32
      %dma_start3A_24 = arith.constant 0 : i32
      %dma_start3A_25 = tpu.memref_slice %arg4[%dma_start3A_23, %dma_start3A_24] : memref<2x10112xi32, #tpu.memory_space<vmem>> -> memref<2x10112xi32, #tpu.memory_space<vmem>>
      %dma_start3A_26 = arith.constant 0 : i32
      %dma_start3A_27 = tpu.memref_slice %arg2[%dma_start3A_26, %multiple_of3A] : memref<2x320000xi32, #tpu.memory_space<hbm>> -> memref<2x10112xi32, #tpu.memory_space<hbm>>
      %dma_start3A_28 = arith.constant 0 : i32
      %dma_start3A_29 = arith.constant 0 : i32
      %dma_start3A_30 = tpu.memref_slice %arg4[%dma_start3A_28, %dma_start3A_29] : memref<2x10112xi32, #tpu.memory_space<vmem>> -> memref<2x10112xi32, #tpu.memory_space<vmem>>
      %dma_start3A_31 = arith.constant 0 : i32
      %dma_start3A_32 = tpu.memref_slice %arg2[%dma_start3A_31, %multiple_of3A] : memref<2x320000xi32, #tpu.memory_space<hbm>> -> memref<2x10112xi32, #tpu.memory_space<hbm>>
      tpu.enqueue_dma source(%dma_start3A_32 : memref<2x10112xi32, #tpu.memory_space<hbm>>) target(%dma_start3A_30 : memref<2x10112xi32, #tpu.memory_space<vmem>>) target_semaphore(%arg6 : memref<!tpu.dma_semaphore, #tpu.memory_space<semaphore_mem>>)
      %broadcast_in_dim3A = arith.constant 0 : i32
      %broadcast_in_dim3A_33 = vector.broadcast %broadcast_in_dim3A : i32 to vector<16xi32>
      %scan3A = arith.constant 0 : i32
      %scan3A_34 = arith.constant 78 : i32
      %scan3A_35 = arith.addi %scan3A, %scan3A_34 : i32
      %scan3A_36 = arith.constant 1 : i32
      scf.for %scan3A_60 = %scan3A to %scan3A_35 step %scan3A_36  : i32 {
        %mul3A_61 = arith.constant 128 : i32
        %mul3A_62 = arith.muli %scan3A_60, %mul3A_61 : i32
        %add3A_63 = arith.constant 0 : i32
        %add3A_64 = arith.addi %add3A_63, %mul3A_62 : i32
        %add3A_65 = arith.constant 0 : i32
        %add3A_66 = arith.addi %add3A_64, %add3A_65 : i32
        %swap3A_67 = arith.index_cast %add3A_66 : i32 to index
        %swap3A_68 = tpu.vector_load %arg5[%swap3A_67] {strides = array<i32>} : memref<10000xi32, #tpu.memory_space<vmem>>, vector<16xi32>,
        tpu.vector_store %arg5[%swap3A_67], %broadcast_in_dim3A_33 {strides = array<i32>} : memref<10000xi32, #tpu.memory_space<vmem>>, vector<16xi32>,
        %add3A_69 = arith.constant 16 : i32
        %add3A_70 = arith.addi %add3A_64, %add3A_69 : i32
        %swap3A_71 = arith.index_cast %add3A_70 : i32 to index
        %swap3A_72 = tpu.vector_load %arg5[%swap3A_71] {strides = array<i32>} : memref<10000xi32, #tpu.memory_space<vmem>>, vector<16xi32>,
        tpu.vector_store %arg5[%swap3A_71], %broadcast_in_dim3A_33 {strides = array<i32>} : memref<10000xi32, #tpu.memory_space<vmem>>, vector<16xi32>,
        %add3A_73 = arith.constant 32 : i32
        %add3A_74 = arith.addi %add3A_64, %add3A_73 : i32
        %swap3A_75 = arith.index_cast %add3A_74 : i32 to index
        %swap3A_76 = tpu.vector_load %arg5[%swap3A_75] {strides = array<i32>} : memref<10000xi32, #tpu.memory_space<vmem>>, vector<16xi32>,
        tpu.vector_store %arg5[%swap3A_75], %broadcast_in_dim3A_33 {strides = array<i32>} : memref<10000xi32, #tpu.memory_space<vmem>>, vector<16xi32>,
        %add3A_77 = arith.constant 48 : i32
        %add3A_78 = arith.addi %add3A_64, %add3A_77 : i32
        %swap3A_79 = arith.index_cast %add3A_78 : i32 to index
        %swap3A_80 = tpu.vector_load %arg5[%swap3A_79] {strides = array<i32>} : memref<10000xi32, #tpu.memory_space<vmem>>, vector<16xi32>,
        tpu.vector_store %arg5[%swap3A_79], %broadcast_in_dim3A_33 {strides = array<i32>} : memref<10000xi32, #tpu.memory_space<vmem>>, vector<16xi32>,
        %add3A_81 = arith.constant 64 : i32
        %add3A_82 = arith.addi %add3A_64, %add3A_81 : i32
        %swap3A_83 = arith.index_cast %add3A_82 : i32 to index
        %swap3A_84 = tpu.vector_load %arg5[%swap3A_83] {strides = array<i32>} : memref<10000xi32, #tpu.memory_space<vmem>>, vector<16xi32>,
        tpu.vector_store %arg5[%swap3A_83], %broadcast_in_dim3A_33 {strides = array<i32>} : memref<10000xi32, #tpu.memory_space<vmem>>, vector<16xi32>,
        %add3A_85 = arith.constant 80 : i32
        %add3A_86 = arith.addi %add3A_64, %add3A_85 : i32
        %swap3A_87 = arith.index_cast %add3A_86 : i32 to index
        %swap3A_88 = tpu.vector_load %arg5[%swap3A_87] {strides = array<i32>} : memref<10000xi32, #tpu.memory_space<vmem>>, vector<16xi32>,
        tpu.vector_store %arg5[%swap3A_87], %broadcast_in_dim3A_33 {strides = array<i32>} : memref<10000xi32, #tpu.memory_space<vmem>>, vector<16xi32>,
        %add3A_89 = arith.constant 96 : i32
        %add3A_90 = arith.addi %add3A_64, %add3A_89 : i32
        %swap3A_91 = arith.index_cast %add3A_90 : i32 to index
        %swap3A_92 = tpu.vector_load %arg5[%swap3A_91] {strides = array<i32>} : memref<10000xi32, #tpu.memory_space<vmem>>, vector<16xi32>,
        tpu.vector_store %arg5[%swap3A_91], %broadcast_in_dim3A_33 {strides = array<i32>} : memref<10000xi32, #tpu.memory_space<vmem>>, vector<16xi32>,
        %add3A_93 = arith.constant 112 : i32
        %add3A_94 = arith.addi %add3A_64, %add3A_93 : i32
        %swap3A_95 = arith.index_cast %add3A_94 : i32 to index
        %swap3A_96 = tpu.vector_load %arg5[%swap3A_95] {strides = array<i32>} : memref<10000xi32, #tpu.memory_space<vmem>>, vector<16xi32>,
        tpu.vector_store %arg5[%swap3A_95], %broadcast_in_dim3A_33 {strides = array<i32>} : memref<10000xi32, #tpu.memory_space<vmem>>, vector<16xi32>,
      }
      %scan3A_37 = arith.constant 78 : i32
      %scan3A_38 = arith.constant 0 : i32
      %mul3A_39 = arith.constant 16 : i32
      %mul3A_40 = arith.muli %scan3A_38, %mul3A_39 : i32
      %add3A_41 = arith.constant 9984 : i32
      %add3A_42 = arith.addi %add3A_41, %mul3A_40 : i32
      %swap3A = arith.index_cast %add3A_42 : i32 to index
      %swap3A_43 = tpu.vector_load %arg5[%swap3A] {strides = array<i32>} : memref<10000xi32, #tpu.memory_space<vmem>>, vector<16xi32>,
      tpu.vector_store %arg5[%swap3A], %broadcast_in_dim3A_33 {strides = array<i32>} : memref<10000xi32, #tpu.memory_space<vmem>>, vector<16xi32>,
      %scan3A_44 = arith.constant 1 : i32
      %dma_wait3A_45 = arith.constant 0 : i32
      %dma_wait3A_46 = arith.constant 0 : i32
      %dma_wait3A_47 = tpu.memref_slice %arg4[%dma_wait3A_45, %dma_wait3A_46] : memref<2x10112xi32, #tpu.memory_space<vmem>> -> memref<2x10112xi32, #tpu.memory_space<vmem>>
      %dma_wait3A_48 = arith.constant 0 : i32
      %dma_wait3A_49 = tpu.memref_slice %arg2[%dma_wait3A_48, %multiple_of3A] : memref<2x320000xi32, #tpu.memory_space<hbm>> -> memref<2x10112xi32, #tpu.memory_space<hbm>>
      %dma_wait3A_50 = arith.constant 0 : i32
      %dma_wait3A_51 = arith.constant 0 : i32
      %dma_wait3A_52 = tpu.memref_slice %arg4[%dma_wait3A_50, %dma_wait3A_51] : memref<2x10112xi32, #tpu.memory_space<vmem>> -> memref<2x10112xi32, #tpu.memory_space<vmem>>
      %dma_wait3A_53 = arith.constant 0 : i32
      %dma_wait3A_54 = tpu.memref_slice %arg2[%dma_wait3A_53, %multiple_of3A] : memref<2x320000xi32, #tpu.memory_space<hbm>> -> memref<2x10112xi32, #tpu.memory_space<hbm>>
      tpu.wait_dma2 semaphore(%arg6 : memref<!tpu.dma_semaphore, #tpu.memory_space<semaphore_mem>>) src(%dma_wait3A_54 : memref<2x10112xi32, #tpu.memory_space<hbm>>) dst(%dma_wait3A_52 : memref<2x10112xi32, #tpu.memory_space<vmem>>)
      %scan3A_55 = arith.constant 0 : i32
      %scan3A_56 = arith.constant 79 : i32
      %scan3A_57 = arith.addi %scan3A_55, %scan3A_56 : i32
      %scan3A_58 = arith.constant 1 : i32
      scf.for %scan3A_60 = %scan3A_55 to %scan3A_57 step %scan3A_58  : i32 {
        %mul3A_61 = arith.constant 128 : i32
        %mul3A_62 = arith.muli %scan3A_60, %mul3A_61 : i32
        %add3A_63 = arith.constant 0 : i32
        %add3A_64 = arith.addi %add3A_63, %mul3A_62 : i32
        %add3A_65 = arith.constant 0 : i32
        %add3A_66 = arith.addi %add3A_64, %add3A_65 : i32
        %get3A = arith.constant 0 : i32
        %get3A_67 = arith.index_cast %get3A : i32 to index
        %get3A_68 = arith.index_cast %add3A_66 : i32 to index
        %get3A_69 = tpu.vector_load %arg4[%get3A_67, %get3A_68] {strides = array<i32>} : memref<2x10112xi32, #tpu.memory_space<vmem>>, vector<16xi32>,
        %add3A_70 = arith.constant 16 : i32
        %add3A_71 = arith.addi %add3A_64, %add3A_70 : i32
        %get3A_72 = arith.constant 0 : i32
        %get3A_73 = arith.index_cast %get3A_72 : i32 to index
        %get3A_74 = arith.index_cast %add3A_71 : i32 to index
        %get3A_75 = tpu.vector_load %arg4[%get3A_73, %get3A_74] {strides = array<i32>} : memref<2x10112xi32, #tpu.memory_space<vmem>>, vector<16xi32>,
        %add3A_76 = arith.constant 32 : i32
        %add3A_77 = arith.addi %add3A_64, %add3A_76 : i32
        %get3A_78 = arith.constant 0 : i32
        %get3A_79 = arith.index_cast %get3A_78 : i32 to index
        %get3A_80 = arith.index_cast %add3A_77 : i32 to index
        %get3A_81 = tpu.vector_load %arg4[%get3A_79, %get3A_80] {strides = array<i32>} : memref<2x10112xi32, #tpu.memory_space<vmem>>, vector<16xi32>,
        %add3A_82 = arith.constant 48 : i32
        %add3A_83 = arith.addi %add3A_64, %add3A_82 : i32
        %get3A_84 = arith.constant 0 : i32
        %get3A_85 = arith.index_cast %get3A_84 : i32 to index
        %get3A_86 = arith.index_cast %add3A_83 : i32 to index
        %get3A_87 = tpu.vector_load %arg4[%get3A_85, %get3A_86] {strides = array<i32>} : memref<2x10112xi32, #tpu.memory_space<vmem>>, vector<16xi32>,
        %add3A_88 = arith.constant 64 : i32
        %add3A_89 = arith.addi %add3A_64, %add3A_88 : i32
        %get3A_90 = arith.constant 0 : i32
        %get3A_91 = arith.index_cast %get3A_90 : i32 to index
        %get3A_92 = arith.index_cast %add3A_89 : i32 to index
        %get3A_93 = tpu.vector_load %arg4[%get3A_91, %get3A_92] {strides = array<i32>} : memref<2x10112xi32, #tpu.memory_space<vmem>>, vector<16xi32>,
        %add3A_94 = arith.constant 80 : i32
        %add3A_95 = arith.addi %add3A_64, %add3A_94 : i32
        %get3A_96 = arith.constant 0 : i32
        %get3A_97 = arith.index_cast %get3A_96 : i32 to index
        %get3A_98 = arith.index_cast %add3A_95 : i32 to index
        %get3A_99 = tpu.vector_load %arg4[%get3A_97, %get3A_98] {strides = array<i32>} : memref<2x10112xi32, #tpu.memory_space<vmem>>, vector<16xi32>,
        %add3A_100 = arith.constant 96 : i32
        %add3A_101 = arith.addi %add3A_64, %add3A_100 : i32
        %get3A_102 = arith.constant 0 : i32
        %get3A_103 = arith.index_cast %get3A_102 : i32 to index
        %get3A_104 = arith.index_cast %add3A_101 : i32 to index
        %get3A_105 = tpu.vector_load %arg4[%get3A_103, %get3A_104] {strides = array<i32>} : memref<2x10112xi32, #tpu.memory_space<vmem>>, vector<16xi32>,
        %add3A_106 = arith.constant 112 : i32
        %add3A_107 = arith.addi %add3A_64, %add3A_106 : i32
        %get3A_108 = arith.constant 0 : i32
        %get3A_109 = arith.index_cast %get3A_108 : i32 to index
        %get3A_110 = arith.index_cast %add3A_107 : i32 to index
        %get3A_111 = tpu.vector_load %arg4[%get3A_109, %get3A_110] {strides = array<i32>} : memref<2x10112xi32, #tpu.memory_space<vmem>>, vector<16xi32>,
        %add3A_112 = arith.constant 0 : i32
        %add3A_113 = arith.addi %add3A_64, %add3A_112 : i32
        %get3A_114 = arith.constant 1 : i32
        %get3A_115 = arith.index_cast %get3A_114 : i32 to index
        %get3A_116 = arith.index_cast %add3A_113 : i32 to index
        %get3A_117 = tpu.vector_load %arg4[%get3A_115, %get3A_116] {strides = array<i32>} : memref<2x10112xi32, #tpu.memory_space<vmem>>, vector<16xi32>,
        %add3A_118 = arith.constant 16 : i32
        %add3A_119 = arith.addi %add3A_64, %add3A_118 : i32
        %get3A_120 = arith.constant 1 : i32
        %get3A_121 = arith.index_cast %get3A_120 : i32 to index
        %get3A_122 = arith.index_cast %add3A_119 : i32 to index
        %get3A_123 = tpu.vector_load %arg4[%get3A_121, %get3A_122] {strides = array<i32>} : memref<2x10112xi32, #tpu.memory_space<vmem>>, vector<16xi32>,
        %add3A_124 = arith.constant 32 : i32
        %add3A_125 = arith.addi %add3A_64, %add3A_124 : i32
        %get3A_126 = arith.constant 1 : i32
        %get3A_127 = arith.index_cast %get3A_126 : i32 to index
        %get3A_128 = arith.index_cast %add3A_125 : i32 to index
        %get3A_129 = tpu.vector_load %arg4[%get3A_127, %get3A_128] {strides = array<i32>} : memref<2x10112xi32, #tpu.memory_space<vmem>>, vector<16xi32>,
        %add3A_130 = arith.constant 48 : i32
        %add3A_131 = arith.addi %add3A_64, %add3A_130 : i32
        %get3A_132 = arith.constant 1 : i32
        %get3A_133 = arith.index_cast %get3A_132 : i32 to index
        %get3A_134 = arith.index_cast %add3A_131 : i32 to index
        %get3A_135 = tpu.vector_load %arg4[%get3A_133, %get3A_134] {strides = array<i32>} : memref<2x10112xi32, #tpu.memory_space<vmem>>, vector<16xi32>,
        %add3A_136 = arith.constant 64 : i32
        %add3A_137 = arith.addi %add3A_64, %add3A_136 : i32
        %get3A_138 = arith.constant 1 : i32
        %get3A_139 = arith.index_cast %get3A_138 : i32 to index
        %get3A_140 = arith.index_cast %add3A_137 : i32 to index
        %get3A_141 = tpu.vector_load %arg4[%get3A_139, %get3A_140] {strides = array<i32>} : memref<2x10112xi32, #tpu.memory_space<vmem>>, vector<16xi32>,
        %add3A_142 = arith.constant 80 : i32
        %add3A_143 = arith.addi %add3A_64, %add3A_142 : i32
        %get3A_144 = arith.constant 1 : i32
        %get3A_145 = arith.index_cast %get3A_144 : i32 to index
        %get3A_146 = arith.index_cast %add3A_143 : i32 to index
        %get3A_147 = tpu.vector_load %arg4[%get3A_145, %get3A_146] {strides = array<i32>} : memref<2x10112xi32, #tpu.memory_space<vmem>>, vector<16xi32>,
        %add3A_148 = arith.constant 96 : i32
        %add3A_149 = arith.addi %add3A_64, %add3A_148 : i32
        %get3A_150 = arith.constant 1 : i32
        %get3A_151 = arith.index_cast %get3A_150 : i32 to index
        %get3A_152 = arith.index_cast %add3A_149 : i32 to index
        %get3A_153 = tpu.vector_load %arg4[%get3A_151, %get3A_152] {strides = array<i32>} : memref<2x10112xi32, #tpu.memory_space<vmem>>, vector<16xi32>,
        %add3A_154 = arith.constant 112 : i32
        %add3A_155 = arith.addi %add3A_64, %add3A_154 : i32
        %get3A_156 = arith.constant 1 : i32
        %get3A_157 = arith.index_cast %get3A_156 : i32 to index
        %get3A_158 = arith.index_cast %add3A_155 : i32 to index
        %get3A_159 = tpu.vector_load %arg4[%get3A_157, %get3A_158] {strides = array<i32>} : memref<2x10112xi32, #tpu.memory_space<vmem>>, vector<16xi32>,
        %broadcast_in_dim3A_160 = arith.constant true
        %broadcast_in_dim3A_161 = vector.broadcast %broadcast_in_dim3A_160 : i1 to vector<16xi1>
        %unique3A, %unique3A_162 = tpu.scan_count mask(%broadcast_in_dim3A_161 : vector<16xi1>) value(%get3A_69 : vector<16xi32>) : vector<16xi1>, vector<16xi32>
        %broadcast_in_dim3A_163 = arith.constant true
        %broadcast_in_dim3A_164 = vector.broadcast %broadcast_in_dim3A_163 : i1 to vector<16xi1>
        %unique3A_165, %unique3A_166 = tpu.scan_count mask(%broadcast_in_dim3A_164 : vector<16xi1>) value(%get3A_75 : vector<16xi32>) : vector<16xi1>, vector<16xi32>
        %broadcast_in_dim3A_167 = arith.constant true
        %broadcast_in_dim3A_168 = vector.broadcast %broadcast_in_dim3A_167 : i1 to vector<16xi1>
        %unique3A_169, %unique3A_170 = tpu.scan_count mask(%broadcast_in_dim3A_168 : vector<16xi1>) value(%get3A_81 : vector<16xi32>) : vector<16xi1>, vector<16xi32>
        %broadcast_in_dim3A_171 = arith.constant true
        %broadcast_in_dim3A_172 = vector.broadcast %broadcast_in_dim3A_171 : i1 to vector<16xi1>
        %unique3A_173, %unique3A_174 = tpu.scan_count mask(%broadcast_in_dim3A_172 : vector<16xi1>) value(%get3A_87 : vector<16xi32>) : vector<16xi1>, vector<16xi32>
        %broadcast_in_dim3A_175 = arith.constant true
        %broadcast_in_dim3A_176 = vector.broadcast %broadcast_in_dim3A_175 : i1 to vector<16xi1>
        %unique3A_177, %unique3A_178 = tpu.scan_count mask(%broadcast_in_dim3A_176 : vector<16xi1>) value(%get3A_93 : vector<16xi32>) : vector<16xi1>, vector<16xi32>
        %broadcast_in_dim3A_179 = arith.constant true
        %broadcast_in_dim3A_180 = vector.broadcast %broadcast_in_dim3A_179 : i1 to vector<16xi1>
        %unique3A_181, %unique3A_182 = tpu.scan_count mask(%broadcast_in_dim3A_180 : vector<16xi1>) value(%get3A_99 : vector<16xi32>) : vector<16xi1>, vector<16xi32>
        %broadcast_in_dim3A_183 = arith.constant true
        %broadcast_in_dim3A_184 = vector.broadcast %broadcast_in_dim3A_183 : i1 to vector<16xi1>
        %unique3A_185, %unique3A_186 = tpu.scan_count mask(%broadcast_in_dim3A_184 : vector<16xi1>) value(%get3A_105 : vector<16xi32>) : vector<16xi1>, vector<16xi32>
        %broadcast_in_dim3A_187 = arith.constant true
        %broadcast_in_dim3A_188 = vector.broadcast %broadcast_in_dim3A_187 : i1 to vector<16xi1>
        %unique3A_189, %unique3A_190 = tpu.scan_count mask(%broadcast_in_dim3A_188 : vector<16xi1>) value(%get3A_111 : vector<16xi32>) : vector<16xi1>, vector<16xi32>
        %broadcast_in_dim3A_191 = arith.constant true
        %broadcast_in_dim3A_192 = vector.broadcast %broadcast_in_dim3A_191 : i1 to vector<16xi1>
        %unique3A_193, %unique3A_194 = tpu.scan_count mask(%broadcast_in_dim3A_192 : vector<16xi1>) value(%get3A_117 : vector<16xi32>) : vector<16xi1>, vector<16xi32>
        %broadcast_in_dim3A_195 = arith.constant true
        %broadcast_in_dim3A_196 = vector.broadcast %broadcast_in_dim3A_195 : i1 to vector<16xi1>
        %unique3A_197, %unique3A_198 = tpu.scan_count mask(%broadcast_in_dim3A_196 : vector<16xi1>) value(%get3A_123 : vector<16xi32>) : vector<16xi1>, vector<16xi32>
        %broadcast_in_dim3A_199 = arith.constant true
        %broadcast_in_dim3A_200 = vector.broadcast %broadcast_in_dim3A_199 : i1 to vector<16xi1>
        %unique3A_201, %unique3A_202 = tpu.scan_count mask(%broadcast_in_dim3A_200 : vector<16xi1>) value(%get3A_129 : vector<16xi32>) : vector<16xi1>, vector<16xi32>
        %broadcast_in_dim3A_203 = arith.constant true
        %broadcast_in_dim3A_204 = vector.broadcast %broadcast_in_dim3A_203 : i1 to vector<16xi1>
        %unique3A_205, %unique3A_206 = tpu.scan_count mask(%broadcast_in_dim3A_204 : vector<16xi1>) value(%get3A_135 : vector<16xi32>) : vector<16xi1>, vector<16xi32>
        %broadcast_in_dim3A_207 = arith.constant true
        %broadcast_in_dim3A_208 = vector.broadcast %broadcast_in_dim3A_207 : i1 to vector<16xi1>
        %unique3A_209, %unique3A_210 = tpu.scan_count mask(%broadcast_in_dim3A_208 : vector<16xi1>) value(%get3A_141 : vector<16xi32>) : vector<16xi1>, vector<16xi32>
        %broadcast_in_dim3A_211 = arith.constant true
        %broadcast_in_dim3A_212 = vector.broadcast %broadcast_in_dim3A_211 : i1 to vector<16xi1>
        %unique3A_213, %unique3A_214 = tpu.scan_count mask(%broadcast_in_dim3A_212 : vector<16xi1>) value(%get3A_147 : vector<16xi32>) : vector<16xi1>, vector<16xi32>
        %broadcast_in_dim3A_215 = arith.constant true
        %broadcast_in_dim3A_216 = vector.broadcast %broadcast_in_dim3A_215 : i1 to vector<16xi1>
        %unique3A_217, %unique3A_218 = tpu.scan_count mask(%broadcast_in_dim3A_216 : vector<16xi1>) value(%get3A_153 : vector<16xi32>) : vector<16xi1>, vector<16xi32>
        %broadcast_in_dim3A_219 = arith.constant true
        %broadcast_in_dim3A_220 = vector.broadcast %broadcast_in_dim3A_219 : i1 to vector<16xi1>
        %unique3A_221, %unique3A_222 = tpu.scan_count mask(%broadcast_in_dim3A_220 : vector<16xi1>) value(%get3A_159 : vector<16xi32>) : vector<16xi1>, vector<16xi32>
        %shift_left3A = arith.constant 16 : i32
        %shift_left3A_223 = vector.broadcast %shift_left3A : i32 to vector<16xi32>
        %shift_left3A_224 = arith.shli %unique3A_162, %shift_left3A_223 : vector<16xi32>
        tpu.vector_store_idx %arg5[%get3A_69], %shift_left3A_224 masked %unique3A {add = true} : memref<10000xi32, #tpu.memory_space<vmem>>[vector<16xi32>], vector<16xi32>, vector<16xi1>
        %shift_left3A_225 = arith.constant 16 : i32
        %shift_left3A_226 = vector.broadcast %shift_left3A_225 : i32 to vector<16xi32>
        %shift_left3A_227 = arith.shli %unique3A_166, %shift_left3A_226 : vector<16xi32>
        tpu.vector_store_idx %arg5[%get3A_75], %shift_left3A_227 masked %unique3A_165 {add = true} : memref<10000xi32, #tpu.memory_space<vmem>>[vector<16xi32>], vector<16xi32>, vector<16xi1>
        %shift_left3A_228 = arith.constant 16 : i32
        %shift_left3A_229 = vector.broadcast %shift_left3A_228 : i32 to vector<16xi32>
        %shift_left3A_230 = arith.shli %unique3A_170, %shift_left3A_229 : vector<16xi32>
        tpu.vector_store_idx %arg5[%get3A_81], %shift_left3A_230 masked %unique3A_169 {add = true} : memref<10000xi32, #tpu.memory_space<vmem>>[vector<16xi32>], vector<16xi32>, vector<16xi1>
        %shift_left3A_231 = arith.constant 16 : i32
        %shift_left3A_232 = vector.broadcast %shift_left3A_231 : i32 to vector<16xi32>
        %shift_left3A_233 = arith.shli %unique3A_174, %shift_left3A_232 : vector<16xi32>
        tpu.vector_store_idx %arg5[%get3A_87], %shift_left3A_233 masked %unique3A_173 {add = true} : memref<10000xi32, #tpu.memory_space<vmem>>[vector<16xi32>], vector<16xi32>, vector<16xi1>
        %shift_left3A_234 = arith.constant 16 : i32
        %shift_left3A_235 = vector.broadcast %shift_left3A_234 : i32 to vector<16xi32>
        %shift_left3A_236 = arith.shli %unique3A_178, %shift_left3A_235 : vector<16xi32>
        tpu.vector_store_idx %arg5[%get3A_93], %shift_left3A_236 masked %unique3A_177 {add = true} : memref<10000xi32, #tpu.memory_space<vmem>>[vector<16xi32>], vector<16xi32>, vector<16xi1>
        %shift_left3A_237 = arith.constant 16 : i32
        %shift_left3A_238 = vector.broadcast %shift_left3A_237 : i32 to vector<16xi32>
        %shift_left3A_239 = arith.shli %unique3A_182, %shift_left3A_238 : vector<16xi32>
        tpu.vector_store_idx %arg5[%get3A_99], %shift_left3A_239 masked %unique3A_181 {add = true} : memref<10000xi32, #tpu.memory_space<vmem>>[vector<16xi32>], vector<16xi32>, vector<16xi1>
        %shift_left3A_240 = arith.constant 16 : i32
        %shift_left3A_241 = vector.broadcast %shift_left3A_240 : i32 to vector<16xi32>
        %shift_left3A_242 = arith.shli %unique3A_186, %shift_left3A_241 : vector<16xi32>
        tpu.vector_store_idx %arg5[%get3A_105], %shift_left3A_242 masked %unique3A_185 {add = true} : memref<10000xi32, #tpu.memory_space<vmem>>[vector<16xi32>], vector<16xi32>, vector<16xi1>
        %shift_left3A_243 = arith.constant 16 : i32
        %shift_left3A_244 = vector.broadcast %shift_left3A_243 : i32 to vector<16xi32>
        %shift_left3A_245 = arith.shli %unique3A_190, %shift_left3A_244 : vector<16xi32>
        tpu.vector_store_idx %arg5[%get3A_111], %shift_left3A_245 masked %unique3A_189 {add = true} : memref<10000xi32, #tpu.memory_space<vmem>>[vector<16xi32>], vector<16xi32>, vector<16xi1>
        tpu.vector_store_idx %arg5[%get3A_117], %unique3A_194 masked %unique3A_193 {add = true} : memref<10000xi32, #tpu.memory_space<vmem>>[vector<16xi32>], vector<16xi32>, vector<16xi1>
        tpu.vector_store_idx %arg5[%get3A_123], %unique3A_198 masked %unique3A_197 {add = true} : memref<10000xi32, #tpu.memory_space<vmem>>[vector<16xi32>], vector<16xi32>, vector<16xi1>
        tpu.vector_store_idx %arg5[%get3A_129], %unique3A_202 masked %unique3A_201 {add = true} : memref<10000xi32, #tpu.memory_space<vmem>>[vector<16xi32>], vector<16xi32>, vector<16xi1>
        tpu.vector_store_idx %arg5[%get3A_135], %unique3A_206 masked %unique3A_205 {add = true} : memref<10000xi32, #tpu.memory_space<vmem>>[vector<16xi32>], vector<16xi32>, vector<16xi1>
        tpu.vector_store_idx %arg5[%get3A_141], %unique3A_210 masked %unique3A_209 {add = true} : memref<10000xi32, #tpu.memory_space<vmem>>[vector<16xi32>], vector<16xi32>, vector<16xi1>
        tpu.vector_store_idx %arg5[%get3A_147], %unique3A_214 masked %unique3A_213 {add = true} : memref<10000xi32, #tpu.memory_space<vmem>>[vector<16xi32>], vector<16xi32>, vector<16xi1>
        tpu.vector_store_idx %arg5[%get3A_153], %unique3A_218 masked %unique3A_217 {add = true} : memref<10000xi32, #tpu.memory_space<vmem>>[vector<16xi32>], vector<16xi32>, vector<16xi1>
        tpu.vector_store_idx %arg5[%get3A_159], %unique3A_222 masked %unique3A_221 {add = true} : memref<10000xi32, #tpu.memory_space<vmem>>[vector<16xi32>], vector<16xi32>, vector<16xi1>
      }
      %scan3A_59 = arith.constant 79 : i32
    } else {
    }
    %ge3A = arith.constant 4 : i32
    %ge3A_9 = arith.cmpi sge, %add3A, %ge3A : i32
    %convert_element_type3A_10 = arith.extui %ge3A_9 : i1 to i32
    %cond3A_11 = arith.constant 0 : i32
    %cond3A_12 = arith.cmpi ne, %convert_element_type3A_10, %cond3A_11 : i32
    scf.if %cond3A_12 {
      %dma_start3A_23 = arith.constant 0 : i32
      %dma_start3A_24 = arith.constant 0 : i32
      %dma_start3A_25 = tpu.memref_slice %arg4[%dma_start3A_23, %dma_start3A_24] : memref<2x10112xi32, #tpu.memory_space<vmem>> -> memref<2x9984xi32, #tpu.memory_space<vmem>>
      %dma_start3A_26 = arith.constant 0 : i32
      %dma_start3A_27 = tpu.memref_slice %arg2[%dma_start3A_26, %multiple_of3A] : memref<2x320000xi32, #tpu.memory_space<hbm>> -> memref<2x9984xi32, #tpu.memory_space<hbm>>
      %dma_start3A_28 = arith.constant 0 : i32
      %dma_start3A_29 = arith.constant 0 : i32
      %dma_start3A_30 = tpu.memref_slice %arg4[%dma_start3A_28, %dma_start3A_29] : memref<2x10112xi32, #tpu.memory_space<vmem>> -> memref<2x9984xi32, #tpu.memory_space<vmem>>
      %dma_start3A_31 = arith.constant 0 : i32
      %dma_start3A_32 = tpu.memref_slice %arg2[%dma_start3A_31, %multiple_of3A] : memref<2x320000xi32, #tpu.memory_space<hbm>> -> memref<2x9984xi32, #tpu.memory_space<hbm>>
      tpu.enqueue_dma source(%dma_start3A_32 : memref<2x9984xi32, #tpu.memory_space<hbm>>) target(%dma_start3A_30 : memref<2x9984xi32, #tpu.memory_space<vmem>>) target_semaphore(%arg6 : memref<!tpu.dma_semaphore, #tpu.memory_space<semaphore_mem>>)
      %broadcast_in_dim3A = arith.constant 0 : i32
      %broadcast_in_dim3A_33 = vector.broadcast %broadcast_in_dim3A : i32 to vector<16xi32>
      %scan3A = arith.constant 0 : i32
      %scan3A_34 = arith.constant 78 : i32
      %scan3A_35 = arith.addi %scan3A, %scan3A_34 : i32
      %scan3A_36 = arith.constant 1 : i32
      scf.for %scan3A_60 = %scan3A to %scan3A_35 step %scan3A_36  : i32 {
        %mul3A_61 = arith.constant 128 : i32
        %mul3A_62 = arith.muli %scan3A_60, %mul3A_61 : i32
        %add3A_63 = arith.constant 0 : i32
        %add3A_64 = arith.addi %add3A_63, %mul3A_62 : i32
        %add3A_65 = arith.constant 0 : i32
        %add3A_66 = arith.addi %add3A_64, %add3A_65 : i32
        %swap3A_67 = arith.index_cast %add3A_66 : i32 to index
        %swap3A_68 = tpu.vector_load %arg5[%swap3A_67] {strides = array<i32>} : memref<10000xi32, #tpu.memory_space<vmem>>, vector<16xi32>,
        tpu.vector_store %arg5[%swap3A_67], %broadcast_in_dim3A_33 {strides = array<i32>} : memref<10000xi32, #tpu.memory_space<vmem>>, vector<16xi32>,
        %add3A_69 = arith.constant 16 : i32
        %add3A_70 = arith.addi %add3A_64, %add3A_69 : i32
        %swap3A_71 = arith.index_cast %add3A_70 : i32 to index
        %swap3A_72 = tpu.vector_load %arg5[%swap3A_71] {strides = array<i32>} : memref<10000xi32, #tpu.memory_space<vmem>>, vector<16xi32>,
        tpu.vector_store %arg5[%swap3A_71], %broadcast_in_dim3A_33 {strides = array<i32>} : memref<10000xi32, #tpu.memory_space<vmem>>, vector<16xi32>,
        %add3A_73 = arith.constant 32 : i32
        %add3A_74 = arith.addi %add3A_64, %add3A_73 : i32
        %swap3A_75 = arith.index_cast %add3A_74 : i32 to index
        %swap3A_76 = tpu.vector_load %arg5[%swap3A_75] {strides = array<i32>} : memref<10000xi32, #tpu.memory_space<vmem>>, vector<16xi32>,
        tpu.vector_store %arg5[%swap3A_75], %broadcast_in_dim3A_33 {strides = array<i32>} : memref<10000xi32, #tpu.memory_space<vmem>>, vector<16xi32>,
        %add3A_77 = arith.constant 48 : i32
        %add3A_78 = arith.addi %add3A_64, %add3A_77 : i32
        %swap3A_79 = arith.index_cast %add3A_78 : i32 to index
        %swap3A_80 = tpu.vector_load %arg5[%swap3A_79] {strides = array<i32>} : memref<10000xi32, #tpu.memory_space<vmem>>, vector<16xi32>,
        tpu.vector_store %arg5[%swap3A_79], %broadcast_in_dim3A_33 {strides = array<i32>} : memref<10000xi32, #tpu.memory_space<vmem>>, vector<16xi32>,
        %add3A_81 = arith.constant 64 : i32
        %add3A_82 = arith.addi %add3A_64, %add3A_81 : i32
        %swap3A_83 = arith.index_cast %add3A_82 : i32 to index
        %swap3A_84 = tpu.vector_load %arg5[%swap3A_83] {strides = array<i32>} : memref<10000xi32, #tpu.memory_space<vmem>>, vector<16xi32>,
        tpu.vector_store %arg5[%swap3A_83], %broadcast_in_dim3A_33 {strides = array<i32>} : memref<10000xi32, #tpu.memory_space<vmem>>, vector<16xi32>,
        %add3A_85 = arith.constant 80 : i32
        %add3A_86 = arith.addi %add3A_64, %add3A_85 : i32
        %swap3A_87 = arith.index_cast %add3A_86 : i32 to index
        %swap3A_88 = tpu.vector_load %arg5[%swap3A_87] {strides = array<i32>} : memref<10000xi32, #tpu.memory_space<vmem>>, vector<16xi32>,
        tpu.vector_store %arg5[%swap3A_87], %broadcast_in_dim3A_33 {strides = array<i32>} : memref<10000xi32, #tpu.memory_space<vmem>>, vector<16xi32>,
        %add3A_89 = arith.constant 96 : i32
        %add3A_90 = arith.addi %add3A_64, %add3A_89 : i32
        %swap3A_91 = arith.index_cast %add3A_90 : i32 to index
        %swap3A_92 = tpu.vector_load %arg5[%swap3A_91] {strides = array<i32>} : memref<10000xi32, #tpu.memory_space<vmem>>, vector<16xi32>,
        tpu.vector_store %arg5[%swap3A_91], %broadcast_in_dim3A_33 {strides = array<i32>} : memref<10000xi32, #tpu.memory_space<vmem>>, vector<16xi32>,
        %add3A_93 = arith.constant 112 : i32
        %add3A_94 = arith.addi %add3A_64, %add3A_93 : i32
        %swap3A_95 = arith.index_cast %add3A_94 : i32 to index
        %swap3A_96 = tpu.vector_load %arg5[%swap3A_95] {strides = array<i32>} : memref<10000xi32, #tpu.memory_space<vmem>>, vector<16xi32>,
        tpu.vector_store %arg5[%swap3A_95], %broadcast_in_dim3A_33 {strides = array<i32>} : memref<10000xi32, #tpu.memory_space<vmem>>, vector<16xi32>,
      }
      %scan3A_37 = arith.constant 78 : i32
      %scan3A_38 = arith.constant 0 : i32
      %mul3A_39 = arith.constant 16 : i32
      %mul3A_40 = arith.muli %scan3A_38, %mul3A_39 : i32
      %add3A_41 = arith.constant 9984 : i32
      %add3A_42 = arith.addi %add3A_41, %mul3A_40 : i32
      %swap3A = arith.index_cast %add3A_42 : i32 to index
      %swap3A_43 = tpu.vector_load %arg5[%swap3A] {strides = array<i32>} : memref<10000xi32, #tpu.memory_space<vmem>>, vector<16xi32>,
      tpu.vector_store %arg5[%swap3A], %broadcast_in_dim3A_33 {strides = array<i32>} : memref<10000xi32, #tpu.memory_space<vmem>>, vector<16xi32>,
      %scan3A_44 = arith.constant 1 : i32
      %dma_wait3A_45 = arith.constant 0 : i32
      %dma_wait3A_46 = arith.constant 0 : i32
      %dma_wait3A_47 = tpu.memref_slice %arg4[%dma_wait3A_45, %dma_wait3A_46] : memref<2x10112xi32, #tpu.memory_space<vmem>> -> memref<2x9984xi32, #tpu.memory_space<vmem>>
      %dma_wait3A_48 = arith.constant 0 : i32
      %dma_wait3A_49 = tpu.memref_slice %arg2[%dma_wait3A_48, %multiple_of3A] : memref<2x320000xi32, #tpu.memory_space<hbm>> -> memref<2x9984xi32, #tpu.memory_space<hbm>>
      %dma_wait3A_50 = arith.constant 0 : i32
      %dma_wait3A_51 = arith.constant 0 : i32
      %dma_wait3A_52 = tpu.memref_slice %arg4[%dma_wait3A_50, %dma_wait3A_51] : memref<2x10112xi32, #tpu.memory_space<vmem>> -> memref<2x9984xi32, #tpu.memory_space<vmem>>
      %dma_wait3A_53 = arith.constant 0 : i32
      %dma_wait3A_54 = tpu.memref_slice %arg2[%dma_wait3A_53, %multiple_of3A] : memref<2x320000xi32, #tpu.memory_space<hbm>> -> memref<2x9984xi32, #tpu.memory_space<hbm>>
      tpu.wait_dma2 semaphore(%arg6 : memref<!tpu.dma_semaphore, #tpu.memory_space<semaphore_mem>>) src(%dma_wait3A_54 : memref<2x9984xi32, #tpu.memory_space<hbm>>) dst(%dma_wait3A_52 : memref<2x9984xi32, #tpu.memory_space<vmem>>)
      %scan3A_55 = arith.constant 0 : i32
      %scan3A_56 = arith.constant 78 : i32
      %scan3A_57 = arith.addi %scan3A_55, %scan3A_56 : i32
      %scan3A_58 = arith.constant 1 : i32
      scf.for %scan3A_60 = %scan3A_55 to %scan3A_57 step %scan3A_58  : i32 {
        %mul3A_61 = arith.constant 128 : i32
        %mul3A_62 = arith.muli %scan3A_60, %mul3A_61 : i32
        %add3A_63 = arith.constant 0 : i32
        %add3A_64 = arith.addi %add3A_63, %mul3A_62 : i32
        %add3A_65 = arith.constant 0 : i32
        %add3A_66 = arith.addi %add3A_64, %add3A_65 : i32
        %get3A = arith.constant 0 : i32
        %get3A_67 = arith.index_cast %get3A : i32 to index
        %get3A_68 = arith.index_cast %add3A_66 : i32 to index
        %get3A_69 = tpu.vector_load %arg4[%get3A_67, %get3A_68] {strides = array<i32>} : memref<2x10112xi32, #tpu.memory_space<vmem>>, vector<16xi32>,
        %add3A_70 = arith.constant 16 : i32
        %add3A_71 = arith.addi %add3A_64, %add3A_70 : i32
        %get3A_72 = arith.constant 0 : i32
        %get3A_73 = arith.index_cast %get3A_72 : i32 to index
        %get3A_74 = arith.index_cast %add3A_71 : i32 to index
        %get3A_75 = tpu.vector_load %arg4[%get3A_73, %get3A_74] {strides = array<i32>} : memref<2x10112xi32, #tpu.memory_space<vmem>>, vector<16xi32>,
        %add3A_76 = arith.constant 32 : i32
        %add3A_77 = arith.addi %add3A_64, %add3A_76 : i32
        %get3A_78 = arith.constant 0 : i32
        %get3A_79 = arith.index_cast %get3A_78 : i32 to index
        %get3A_80 = arith.index_cast %add3A_77 : i32 to index
        %get3A_81 = tpu.vector_load %arg4[%get3A_79, %get3A_80] {strides = array<i32>} : memref<2x10112xi32, #tpu.memory_space<vmem>>, vector<16xi32>,
        %add3A_82 = arith.constant 48 : i32
        %add3A_83 = arith.addi %add3A_64, %add3A_82 : i32
        %get3A_84 = arith.constant 0 : i32
        %get3A_85 = arith.index_cast %get3A_84 : i32 to index
        %get3A_86 = arith.index_cast %add3A_83 : i32 to index
        %get3A_87 = tpu.vector_load %arg4[%get3A_85, %get3A_86] {strides = array<i32>} : memref<2x10112xi32, #tpu.memory_space<vmem>>, vector<16xi32>,
        %add3A_88 = arith.constant 64 : i32
        %add3A_89 = arith.addi %add3A_64, %add3A_88 : i32
        %get3A_90 = arith.constant 0 : i32
        %get3A_91 = arith.index_cast %get3A_90 : i32 to index
        %get3A_92 = arith.index_cast %add3A_89 : i32 to index
        %get3A_93 = tpu.vector_load %arg4[%get3A_91, %get3A_92] {strides = array<i32>} : memref<2x10112xi32, #tpu.memory_space<vmem>>, vector<16xi32>,
        %add3A_94 = arith.constant 80 : i32
        %add3A_95 = arith.addi %add3A_64, %add3A_94 : i32
        %get3A_96 = arith.constant 0 : i32
        %get3A_97 = arith.index_cast %get3A_96 : i32 to index
        %get3A_98 = arith.index_cast %add3A_95 : i32 to index
        %get3A_99 = tpu.vector_load %arg4[%get3A_97, %get3A_98] {strides = array<i32>} : memref<2x10112xi32, #tpu.memory_space<vmem>>, vector<16xi32>,
        %add3A_100 = arith.constant 96 : i32
        %add3A_101 = arith.addi %add3A_64, %add3A_100 : i32
        %get3A_102 = arith.constant 0 : i32
        %get3A_103 = arith.index_cast %get3A_102 : i32 to index
        %get3A_104 = arith.index_cast %add3A_101 : i32 to index
        %get3A_105 = tpu.vector_load %arg4[%get3A_103, %get3A_104] {strides = array<i32>} : memref<2x10112xi32, #tpu.memory_space<vmem>>, vector<16xi32>,
        %add3A_106 = arith.constant 112 : i32
        %add3A_107 = arith.addi %add3A_64, %add3A_106 : i32
        %get3A_108 = arith.constant 0 : i32
        %get3A_109 = arith.index_cast %get3A_108 : i32 to index
        %get3A_110 = arith.index_cast %add3A_107 : i32 to index
        %get3A_111 = tpu.vector_load %arg4[%get3A_109, %get3A_110] {strides = array<i32>} : memref<2x10112xi32, #tpu.memory_space<vmem>>, vector<16xi32>,
        %add3A_112 = arith.constant 0 : i32
        %add3A_113 = arith.addi %add3A_64, %add3A_112 : i32
        %get3A_114 = arith.constant 1 : i32
        %get3A_115 = arith.index_cast %get3A_114 : i32 to index
        %get3A_116 = arith.index_cast %add3A_113 : i32 to index
        %get3A_117 = tpu.vector_load %arg4[%get3A_115, %get3A_116] {strides = array<i32>} : memref<2x10112xi32, #tpu.memory_space<vmem>>, vector<16xi32>,
        %add3A_118 = arith.constant 16 : i32
        %add3A_119 = arith.addi %add3A_64, %add3A_118 : i32
        %get3A_120 = arith.constant 1 : i32
        %get3A_121 = arith.index_cast %get3A_120 : i32 to index
        %get3A_122 = arith.index_cast %add3A_119 : i32 to index
        %get3A_123 = tpu.vector_load %arg4[%get3A_121, %get3A_122] {strides = array<i32>} : memref<2x10112xi32, #tpu.memory_space<vmem>>, vector<16xi32>,
        %add3A_124 = arith.constant 32 : i32
        %add3A_125 = arith.addi %add3A_64, %add3A_124 : i32
        %get3A_126 = arith.constant 1 : i32
        %get3A_127 = arith.index_cast %get3A_126 : i32 to index
        %get3A_128 = arith.index_cast %add3A_125 : i32 to index
        %get3A_129 = tpu.vector_load %arg4[%get3A_127, %get3A_128] {strides = array<i32>} : memref<2x10112xi32, #tpu.memory_space<vmem>>, vector<16xi32>,
        %add3A_130 = arith.constant 48 : i32
        %add3A_131 = arith.addi %add3A_64, %add3A_130 : i32
        %get3A_132 = arith.constant 1 : i32
        %get3A_133 = arith.index_cast %get3A_132 : i32 to index
        %get3A_134 = arith.index_cast %add3A_131 : i32 to index
        %get3A_135 = tpu.vector_load %arg4[%get3A_133, %get3A_134] {strides = array<i32>} : memref<2x10112xi32, #tpu.memory_space<vmem>>, vector<16xi32>,
        %add3A_136 = arith.constant 64 : i32
        %add3A_137 = arith.addi %add3A_64, %add3A_136 : i32
        %get3A_138 = arith.constant 1 : i32
        %get3A_139 = arith.index_cast %get3A_138 : i32 to index
        %get3A_140 = arith.index_cast %add3A_137 : i32 to index
        %get3A_141 = tpu.vector_load %arg4[%get3A_139, %get3A_140] {strides = array<i32>} : memref<2x10112xi32, #tpu.memory_space<vmem>>, vector<16xi32>,
        %add3A_142 = arith.constant 80 : i32
        %add3A_143 = arith.addi %add3A_64, %add3A_142 : i32
        %get3A_144 = arith.constant 1 : i32
        %get3A_145 = arith.index_cast %get3A_144 : i32 to index
        %get3A_146 = arith.index_cast %add3A_143 : i32 to index
        %get3A_147 = tpu.vector_load %arg4[%get3A_145, %get3A_146] {strides = array<i32>} : memref<2x10112xi32, #tpu.memory_space<vmem>>, vector<16xi32>,
        %add3A_148 = arith.constant 96 : i32
        %add3A_149 = arith.addi %add3A_64, %add3A_148 : i32
        %get3A_150 = arith.constant 1 : i32
        %get3A_151 = arith.index_cast %get3A_150 : i32 to index
        %get3A_152 = arith.index_cast %add3A_149 : i32 to index
        %get3A_153 = tpu.vector_load %arg4[%get3A_151, %get3A_152] {strides = array<i32>} : memref<2x10112xi32, #tpu.memory_space<vmem>>, vector<16xi32>,
        %add3A_154 = arith.constant 112 : i32
        %add3A_155 = arith.addi %add3A_64, %add3A_154 : i32
        %get3A_156 = arith.constant 1 : i32
        %get3A_157 = arith.index_cast %get3A_156 : i32 to index
        %get3A_158 = arith.index_cast %add3A_155 : i32 to index
        %get3A_159 = tpu.vector_load %arg4[%get3A_157, %get3A_158] {strides = array<i32>} : memref<2x10112xi32, #tpu.memory_space<vmem>>, vector<16xi32>,
        %broadcast_in_dim3A_160 = arith.constant true
        %broadcast_in_dim3A_161 = vector.broadcast %broadcast_in_dim3A_160 : i1 to vector<16xi1>
        %unique3A, %unique3A_162 = tpu.scan_count mask(%broadcast_in_dim3A_161 : vector<16xi1>) value(%get3A_69 : vector<16xi32>) : vector<16xi1>, vector<16xi32>
        %broadcast_in_dim3A_163 = arith.constant true
        %broadcast_in_dim3A_164 = vector.broadcast %broadcast_in_dim3A_163 : i1 to vector<16xi1>
        %unique3A_165, %unique3A_166 = tpu.scan_count mask(%broadcast_in_dim3A_164 : vector<16xi1>) value(%get3A_75 : vector<16xi32>) : vector<16xi1>, vector<16xi32>
        %broadcast_in_dim3A_167 = arith.constant true
        %broadcast_in_dim3A_168 = vector.broadcast %broadcast_in_dim3A_167 : i1 to vector<16xi1>
        %unique3A_169, %unique3A_170 = tpu.scan_count mask(%broadcast_in_dim3A_168 : vector<16xi1>) value(%get3A_81 : vector<16xi32>) : vector<16xi1>, vector<16xi32>
        %broadcast_in_dim3A_171 = arith.constant true
        %broadcast_in_dim3A_172 = vector.broadcast %broadcast_in_dim3A_171 : i1 to vector<16xi1>
        %unique3A_173, %unique3A_174 = tpu.scan_count mask(%broadcast_in_dim3A_172 : vector<16xi1>) value(%get3A_87 : vector<16xi32>) : vector<16xi1>, vector<16xi32>
        %broadcast_in_dim3A_175 = arith.constant true
        %broadcast_in_dim3A_176 = vector.broadcast %broadcast_in_dim3A_175 : i1 to vector<16xi1>
        %unique3A_177, %unique3A_178 = tpu.scan_count mask(%broadcast_in_dim3A_176 : vector<16xi1>) value(%get3A_93 : vector<16xi32>) : vector<16xi1>, vector<16xi32>
        %broadcast_in_dim3A_179 = arith.constant true
        %broadcast_in_dim3A_180 = vector.broadcast %broadcast_in_dim3A_179 : i1 to vector<16xi1>
        %unique3A_181, %unique3A_182 = tpu.scan_count mask(%broadcast_in_dim3A_180 : vector<16xi1>) value(%get3A_99 : vector<16xi32>) : vector<16xi1>, vector<16xi32>
        %broadcast_in_dim3A_183 = arith.constant true
        %broadcast_in_dim3A_184 = vector.broadcast %broadcast_in_dim3A_183 : i1 to vector<16xi1>
        %unique3A_185, %unique3A_186 = tpu.scan_count mask(%broadcast_in_dim3A_184 : vector<16xi1>) value(%get3A_105 : vector<16xi32>) : vector<16xi1>, vector<16xi32>
        %broadcast_in_dim3A_187 = arith.constant true
        %broadcast_in_dim3A_188 = vector.broadcast %broadcast_in_dim3A_187 : i1 to vector<16xi1>
        %unique3A_189, %unique3A_190 = tpu.scan_count mask(%broadcast_in_dim3A_188 : vector<16xi1>) value(%get3A_111 : vector<16xi32>) : vector<16xi1>, vector<16xi32>
        %broadcast_in_dim3A_191 = arith.constant true
        %broadcast_in_dim3A_192 = vector.broadcast %broadcast_in_dim3A_191 : i1 to vector<16xi1>
        %unique3A_193, %unique3A_194 = tpu.scan_count mask(%broadcast_in_dim3A_192 : vector<16xi1>) value(%get3A_117 : vector<16xi32>) : vector<16xi1>, vector<16xi32>
        %broadcast_in_dim3A_195 = arith.constant true
        %broadcast_in_dim3A_196 = vector.broadcast %broadcast_in_dim3A_195 : i1 to vector<16xi1>
        %unique3A_197, %unique3A_198 = tpu.scan_count mask(%broadcast_in_dim3A_196 : vector<16xi1>) value(%get3A_123 : vector<16xi32>) : vector<16xi1>, vector<16xi32>
        %broadcast_in_dim3A_199 = arith.constant true
        %broadcast_in_dim3A_200 = vector.broadcast %broadcast_in_dim3A_199 : i1 to vector<16xi1>
        %unique3A_201, %unique3A_202 = tpu.scan_count mask(%broadcast_in_dim3A_200 : vector<16xi1>) value(%get3A_129 : vector<16xi32>) : vector<16xi1>, vector<16xi32>
        %broadcast_in_dim3A_203 = arith.constant true
        %broadcast_in_dim3A_204 = vector.broadcast %broadcast_in_dim3A_203 : i1 to vector<16xi1>
        %unique3A_205, %unique3A_206 = tpu.scan_count mask(%broadcast_in_dim3A_204 : vector<16xi1>) value(%get3A_135 : vector<16xi32>) : vector<16xi1>, vector<16xi32>
        %broadcast_in_dim3A_207 = arith.constant true
        %broadcast_in_dim3A_208 = vector.broadcast %broadcast_in_dim3A_207 : i1 to vector<16xi1>
        %unique3A_209, %unique3A_210 = tpu.scan_count mask(%broadcast_in_dim3A_208 : vector<16xi1>) value(%get3A_141 : vector<16xi32>) : vector<16xi1>, vector<16xi32>
        %broadcast_in_dim3A_211 = arith.constant true
        %broadcast_in_dim3A_212 = vector.broadcast %broadcast_in_dim3A_211 : i1 to vector<16xi1>
        %unique3A_213, %unique3A_214 = tpu.scan_count mask(%broadcast_in_dim3A_212 : vector<16xi1>) value(%get3A_147 : vector<16xi32>) : vector<16xi1>, vector<16xi32>
        %broadcast_in_dim3A_215 = arith.constant true
        %broadcast_in_dim3A_216 = vector.broadcast %broadcast_in_dim3A_215 : i1 to vector<16xi1>
        %unique3A_217, %unique3A_218 = tpu.scan_count mask(%broadcast_in_dim3A_216 : vector<16xi1>) value(%get3A_153 : vector<16xi32>) : vector<16xi1>, vector<16xi32>
        %broadcast_in_dim3A_219 = arith.constant true
        %broadcast_in_dim3A_220 = vector.broadcast %broadcast_in_dim3A_219 : i1 to vector<16xi1>
        %unique3A_221, %unique3A_222 = tpu.scan_count mask(%broadcast_in_dim3A_220 : vector<16xi1>) value(%get3A_159 : vector<16xi32>) : vector<16xi1>, vector<16xi32>
        %shift_left3A = arith.constant 16 : i32
        %shift_left3A_223 = vector.broadcast %shift_left3A : i32 to vector<16xi32>
        %shift_left3A_224 = arith.shli %unique3A_162, %shift_left3A_223 : vector<16xi32>
        tpu.vector_store_idx %arg5[%get3A_69], %shift_left3A_224 masked %unique3A {add = true} : memref<10000xi32, #tpu.memory_space<vmem>>[vector<16xi32>], vector<16xi32>, vector<16xi1>
        %shift_left3A_225 = arith.constant 16 : i32
        %shift_left3A_226 = vector.broadcast %shift_left3A_225 : i32 to vector<16xi32>
        %shift_left3A_227 = arith.shli %unique3A_166, %shift_left3A_226 : vector<16xi32>
        tpu.vector_store_idx %arg5[%get3A_75], %shift_left3A_227 masked %unique3A_165 {add = true} : memref<10000xi32, #tpu.memory_space<vmem>>[vector<16xi32>], vector<16xi32>, vector<16xi1>
        %shift_left3A_228 = arith.constant 16 : i32
        %shift_left3A_229 = vector.broadcast %shift_left3A_228 : i32 to vector<16xi32>
        %shift_left3A_230 = arith.shli %unique3A_170, %shift_left3A_229 : vector<16xi32>
        tpu.vector_store_idx %arg5[%get3A_81], %shift_left3A_230 masked %unique3A_169 {add = true} : memref<10000xi32, #tpu.memory_space<vmem>>[vector<16xi32>], vector<16xi32>, vector<16xi1>
        %shift_left3A_231 = arith.constant 16 : i32
        %shift_left3A_232 = vector.broadcast %shift_left3A_231 : i32 to vector<16xi32>
        %shift_left3A_233 = arith.shli %unique3A_174, %shift_left3A_232 : vector<16xi32>
        tpu.vector_store_idx %arg5[%get3A_87], %shift_left3A_233 masked %unique3A_173 {add = true} : memref<10000xi32, #tpu.memory_space<vmem>>[vector<16xi32>], vector<16xi32>, vector<16xi1>
        %shift_left3A_234 = arith.constant 16 : i32
        %shift_left3A_235 = vector.broadcast %shift_left3A_234 : i32 to vector<16xi32>
        %shift_left3A_236 = arith.shli %unique3A_178, %shift_left3A_235 : vector<16xi32>
        tpu.vector_store_idx %arg5[%get3A_93], %shift_left3A_236 masked %unique3A_177 {add = true} : memref<10000xi32, #tpu.memory_space<vmem>>[vector<16xi32>], vector<16xi32>, vector<16xi1>
        %shift_left3A_237 = arith.constant 16 : i32
        %shift_left3A_238 = vector.broadcast %shift_left3A_237 : i32 to vector<16xi32>
        %shift_left3A_239 = arith.shli %unique3A_182, %shift_left3A_238 : vector<16xi32>
        tpu.vector_store_idx %arg5[%get3A_99], %shift_left3A_239 masked %unique3A_181 {add = true} : memref<10000xi32, #tpu.memory_space<vmem>>[vector<16xi32>], vector<16xi32>, vector<16xi1>
        %shift_left3A_240 = arith.constant 16 : i32
        %shift_left3A_241 = vector.broadcast %shift_left3A_240 : i32 to vector<16xi32>
        %shift_left3A_242 = arith.shli %unique3A_186, %shift_left3A_241 : vector<16xi32>
        tpu.vector_store_idx %arg5[%get3A_105], %shift_left3A_242 masked %unique3A_185 {add = true} : memref<10000xi32, #tpu.memory_space<vmem>>[vector<16xi32>], vector<16xi32>, vector<16xi1>
        %shift_left3A_243 = arith.constant 16 : i32
        %shift_left3A_244 = vector.broadcast %shift_left3A_243 : i32 to vector<16xi32>
        %shift_left3A_245 = arith.shli %unique3A_190, %shift_left3A_244 : vector<16xi32>
        tpu.vector_store_idx %arg5[%get3A_111], %shift_left3A_245 masked %unique3A_189 {add = true} : memref<10000xi32, #tpu.memory_space<vmem>>[vector<16xi32>], vector<16xi32>, vector<16xi1>
        tpu.vector_store_idx %arg5[%get3A_117], %unique3A_194 masked %unique3A_193 {add = true} : memref<10000xi32, #tpu.memory_space<vmem>>[vector<16xi32>], vector<16xi32>, vector<16xi1>
        tpu.vector_store_idx %arg5[%get3A_123], %unique3A_198 masked %unique3A_197 {add = true} : memref<10000xi32, #tpu.memory_space<vmem>>[vector<16xi32>], vector<16xi32>, vector<16xi1>
        tpu.vector_store_idx %arg5[%get3A_129], %unique3A_202 masked %unique3A_201 {add = true} : memref<10000xi32, #tpu.memory_space<vmem>>[vector<16xi32>], vector<16xi32>, vector<16xi1>
        tpu.vector_store_idx %arg5[%get3A_135], %unique3A_206 masked %unique3A_205 {add = true} : memref<10000xi32, #tpu.memory_space<vmem>>[vector<16xi32>], vector<16xi32>, vector<16xi1>
        tpu.vector_store_idx %arg5[%get3A_141], %unique3A_210 masked %unique3A_209 {add = true} : memref<10000xi32, #tpu.memory_space<vmem>>[vector<16xi32>], vector<16xi32>, vector<16xi1>
        tpu.vector_store_idx %arg5[%get3A_147], %unique3A_214 masked %unique3A_213 {add = true} : memref<10000xi32, #tpu.memory_space<vmem>>[vector<16xi32>], vector<16xi32>, vector<16xi1>
        tpu.vector_store_idx %arg5[%get3A_153], %unique3A_218 masked %unique3A_217 {add = true} : memref<10000xi32, #tpu.memory_space<vmem>>[vector<16xi32>], vector<16xi32>, vector<16xi1>
        tpu.vector_store_idx %arg5[%get3A_159], %unique3A_222 masked %unique3A_221 {add = true} : memref<10000xi32, #tpu.memory_space<vmem>>[vector<16xi32>], vector<16xi32>, vector<16xi1>
      }
      %scan3A_59 = arith.constant 78 : i32
    } else {
    }
    %dma_start3A = arith.constant 0 : i32
    %dma_start3A_13 = tpu.memref_slice %arg3[%add3A, %dma_start3A] : memref<32x10000xi32, #tpu.memory_space<hbm>> -> memref<1x10000xi32, #tpu.memory_space<hbm>>
    %dma_start3A_14 = tpu.memref_squeeze %dma_start3A_13 : memref<1x10000xi32, #tpu.memory_space<hbm>> -> memref<10000xi32, #tpu.memory_space<hbm>>
    %dma_start3A_15 = arith.constant 0 : i32
    %dma_start3A_16 = tpu.memref_slice %arg3[%add3A, %dma_start3A_15] : memref<32x10000xi32, #tpu.memory_space<hbm>> -> memref<1x10000xi32, #tpu.memory_space<hbm>>
    %dma_start3A_17 = tpu.memref_squeeze %dma_start3A_16 : memref<1x10000xi32, #tpu.memory_space<hbm>> -> memref<10000xi32, #tpu.memory_space<hbm>>
    tpu.enqueue_dma source(%arg5 : memref<10000xi32, #tpu.memory_space<vmem>>) target(%dma_start3A_17 : memref<10000xi32, #tpu.memory_space<hbm>>) target_semaphore(%arg6 : memref<!tpu.dma_semaphore, #tpu.memory_space<semaphore_mem>>)
    %dma_wait3A = arith.constant 0 : i32
    %dma_wait3A_18 = tpu.memref_slice %arg3[%add3A, %dma_wait3A] : memref<32x10000xi32, #tpu.memory_space<hbm>> -> memref<1x10000xi32, #tpu.memory_space<hbm>>
    %dma_wait3A_19 = tpu.memref_squeeze %dma_wait3A_18 : memref<1x10000xi32, #tpu.memory_space<hbm>> -> memref<10000xi32, #tpu.memory_space<hbm>>
    %dma_wait3A_20 = arith.constant 0 : i32
    %dma_wait3A_21 = tpu.memref_slice %arg3[%add3A, %dma_wait3A_20] : memref<32x10000xi32, #tpu.memory_space<hbm>> -> memref<1x10000xi32, #tpu.memory_space<hbm>>
    %dma_wait3A_22 = tpu.memref_squeeze %dma_wait3A_21 : memref<1x10000xi32, #tpu.memory_space<hbm>> -> memref<10000xi32, #tpu.memory_space<hbm>>
    tpu.wait_dma2 semaphore(%arg6 : memref<!tpu.dma_semaphore, #tpu.memory_space<semaphore_mem>>) src(%arg5 : memref<10000xi32, #tpu.memory_space<vmem>>) dst(%dma_wait3A_22 : memref<10000xi32, #tpu.memory_space<hbm>>)
    return
  }
}

module attributes {stable_mosaic.version = 14 : i64} {
  func.func @_tc_body(%arg0: i32, %arg1: memref<32x2560xi32, #tpu.memory_space<vmem>>, %arg2: memref<2560x128xf32, #tpu.memory_space<vmem>>, %arg3: memref<512x128xbf16, #tpu.memory_space<vmem>>, %arg4: memref<512x128xbf16, #tpu.memory_space<vmem>>, %arg5: memref<2560x128xf32, #tpu.memory_space<vmem>>) attributes {dimension_semantics = [#tpu.dimension_semantics<arbitrary>], iteration_bounds = array<i64: 4>, scalar_prefetch = 0 : i64, scratch_operands = 0 : i64, tpu.core_type = #tpu.core_type<tc>, window_params = [{transform_indices = @transform_0, window_bounds = array<i64: 32, 2560>}, {transform_indices = @transform_1, window_bounds = array<i64: 2560, 128>}, {pipeline_mode = #tpu.pipeline_mode<synchronous>, transform_indices = @transform_2, window_bounds = array<i64: 512, 128>}, {pipeline_mode = #tpu.pipeline_mode<synchronous>, transform_indices = @transform_3, window_bounds = array<i64: 512, 128>}, {transform_indices = @transform_4, window_bounds = array<i64: 2560, 128>}]} {
    %broadcast_in_dim3A = arith.constant 1.000000e+00 : bf16
    %broadcast_in_dim3A_0 = vector.broadcast %broadcast_in_dim3A : bf16 to vector<32x1xbf16>
    %get3A = arith.constant 0 : index
    %get3A_1 = arith.constant 0 : index
    %get3A_2 = vector.load %arg1[%get3A, %get3A_1] : memref<32x2560xi32, #tpu.memory_space<vmem>>, vector<32x2560xi32>
    %and3A = arith.constant 65535 : i32
    %and3A_3 = vector.broadcast %and3A : i32 to vector<32x2560xi32>
    %and3A_4 = arith.andi %get3A_2, %and3A_3 : vector<32x2560xi32>
    %and3A_5 = arith.constant 255 : i32
    %and3A_6 = vector.broadcast %and3A_5 : i32 to vector<32x2560xi32>
    %and3A_7 = arith.andi %and3A_4, %and3A_6 : vector<32x2560xi32>
    %convert_element_type3A = arith.sitofp %and3A_7 : vector<32x2560xi32> to vector<32x2560xbf16>
    %shift_right_arithmetic3A = arith.constant 8 : i32
    %shift_right_arithmetic3A_8 = vector.broadcast %shift_right_arithmetic3A : i32 to vector<32x2560xi32>
    %shift_right_arithmetic3A_9 = arith.shrsi %and3A_4, %shift_right_arithmetic3A_8 : vector<32x2560xi32>
    %and3A_10 = arith.constant 255 : i32
    %and3A_11 = vector.broadcast %and3A_10 : i32 to vector<32x2560xi32>
    %and3A_12 = arith.andi %shift_right_arithmetic3A_9, %and3A_11 : vector<32x2560xi32>
    %convert_element_type3A_13 = arith.sitofp %and3A_12 : vector<32x2560xi32> to vector<32x2560xbf16>
    %dot_general3A = arith.constant dense<0.000000e+00> : vector<2560x1xf32>
    %dot_general3A_14 = tpu.matmul %convert_element_type3A, %broadcast_in_dim3A_0, %dot_general3A {dimension_numbers = #tpu.dot_dimension_numbers<[0], [0], [1], [1], [0, 1, 1, 1], [], []>, transpose_lhs_hint = false} : vector<32x2560xbf16>, vector<32x1xbf16>, vector<2560x1xf32> -> vector<2560x1xf32>
    %dot_general3A_15 = arith.constant dense<0.000000e+00> : vector<2560x1xf32>
    %dot_general3A_16 = tpu.matmul %convert_element_type3A_13, %broadcast_in_dim3A_0, %dot_general3A_15 {dimension_numbers = #tpu.dot_dimension_numbers<[0], [0], [1], [1], [0, 1, 1, 1], [], []>, transpose_lhs_hint = false} : vector<32x2560xbf16>, vector<32x1xbf16>, vector<2560x1xf32> -> vector<2560x1xf32>
    %mul3A = arith.constant 2.560000e+02 : f32
    %mul3A_17 = vector.broadcast %mul3A : f32 to vector<2560x1xf32>
    %mul3A_18 = arith.mulf %mul3A_17, %dot_general3A_16 : vector<2560x1xf32>
    %add3A = arith.addf %dot_general3A_14, %mul3A_18 : vector<2560x1xf32>
    %min3A = arith.constant 5.110000e+02 : f32
    %min3A_19 = vector.broadcast %min3A : f32 to vector<2560x1xf32>
    %min3A_20 = arith.minimumf %add3A, %min3A_19 : vector<2560x1xf32>
    %convert_element_type3A_21 = arith.fptosi %min3A_20 : vector<2560x1xf32> to vector<2560x1xi32>
    %shift_right_arithmetic3A_22 = arith.constant 16 : i32
    %shift_right_arithmetic3A_23 = vector.broadcast %shift_right_arithmetic3A_22 : i32 to vector<32x2560xi32>
    %shift_right_arithmetic3A_24 = arith.shrsi %get3A_2, %shift_right_arithmetic3A_23 : vector<32x2560xi32>
    %and3A_25 = arith.constant 255 : i32
    %and3A_26 = vector.broadcast %and3A_25 : i32 to vector<32x2560xi32>
    %and3A_27 = arith.andi %shift_right_arithmetic3A_24, %and3A_26 : vector<32x2560xi32>
    %convert_element_type3A_28 = arith.sitofp %and3A_27 : vector<32x2560xi32> to vector<32x2560xbf16>
    %shift_right_arithmetic3A_29 = arith.constant 8 : i32
    %shift_right_arithmetic3A_30 = vector.broadcast %shift_right_arithmetic3A_29 : i32 to vector<32x2560xi32>
    %shift_right_arithmetic3A_31 = arith.shrsi %shift_right_arithmetic3A_24, %shift_right_arithmetic3A_30 : vector<32x2560xi32>
    %and3A_32 = arith.constant 255 : i32
    %and3A_33 = vector.broadcast %and3A_32 : i32 to vector<32x2560xi32>
    %and3A_34 = arith.andi %shift_right_arithmetic3A_31, %and3A_33 : vector<32x2560xi32>
    %convert_element_type3A_35 = arith.sitofp %and3A_34 : vector<32x2560xi32> to vector<32x2560xbf16>
    %dot_general3A_36 = arith.constant dense<0.000000e+00> : vector<2560x1xf32>
    %dot_general3A_37 = tpu.matmul %convert_element_type3A_28, %broadcast_in_dim3A_0, %dot_general3A_36 {dimension_numbers = #tpu.dot_dimension_numbers<[0], [0], [1], [1], [0, 1, 1, 1], [], []>, transpose_lhs_hint = false} : vector<32x2560xbf16>, vector<32x1xbf16>, vector<2560x1xf32> -> vector<2560x1xf32>
    %dot_general3A_38 = arith.constant dense<0.000000e+00> : vector<2560x1xf32>
    %dot_general3A_39 = tpu.matmul %convert_element_type3A_35, %broadcast_in_dim3A_0, %dot_general3A_38 {dimension_numbers = #tpu.dot_dimension_numbers<[0], [0], [1], [1], [0, 1, 1, 1], [], []>, transpose_lhs_hint = false} : vector<32x2560xbf16>, vector<32x1xbf16>, vector<2560x1xf32> -> vector<2560x1xf32>
    %mul3A_40 = arith.constant 2.560000e+02 : f32
    %mul3A_41 = vector.broadcast %mul3A_40 : f32 to vector<2560x1xf32>
    %mul3A_42 = arith.mulf %mul3A_41, %dot_general3A_39 : vector<2560x1xf32>
    %add3A_43 = arith.addf %dot_general3A_37, %mul3A_42 : vector<2560x1xf32>
    %min3A_44 = arith.constant 5.110000e+02 : f32
    %min3A_45 = vector.broadcast %min3A_44 : f32 to vector<2560x1xf32>
    %min3A_46 = arith.minimumf %add3A_43, %min3A_45 : vector<2560x1xf32>
    %convert_element_type3A_47 = arith.fptosi %min3A_46 : vector<2560x1xf32> to vector<2560x1xi32>
    %iota3A = tpu.iota {dimensions = array<i32: 1>} : vector<2560x512xi32>
    %eq3A = vector.broadcast %convert_element_type3A_21 : vector<2560x1xi32> to vector<2560x512xi32>
    %eq3A_48 = arith.cmpi eq, %eq3A, %iota3A : vector<2560x512xi32>
    %convert_element_type3A_49 = arith.extui %eq3A_48 : vector<2560x512xi1> to vector<2560x512xi32>
    %convert_element_type3A_50 = arith.sitofp %convert_element_type3A_49 : vector<2560x512xi32> to vector<2560x512xf32>
    %convert_element_type3A_51 = arith.truncf %convert_element_type3A_50 : vector<2560x512xf32> to vector<2560x512xbf16>
    %eq3A_52 = vector.broadcast %convert_element_type3A_47 : vector<2560x1xi32> to vector<2560x512xi32>
    %eq3A_53 = arith.cmpi eq, %eq3A_52, %iota3A : vector<2560x512xi32>
    %convert_element_type3A_54 = arith.extui %eq3A_53 : vector<2560x512xi1> to vector<2560x512xi32>
    %convert_element_type3A_55 = arith.sitofp %convert_element_type3A_54 : vector<2560x512xi32> to vector<2560x512xf32>
    %convert_element_type3A_56 = arith.truncf %convert_element_type3A_55 : vector<2560x512xf32> to vector<2560x512xbf16>
    %get3A_57 = arith.constant 0 : index
    %get3A_58 = arith.constant 0 : index
    %get3A_59 = vector.load %arg2[%get3A_57, %get3A_58] : memref<2560x128xf32, #tpu.memory_space<vmem>>, vector<2560x128xf32>
    %get3A_60 = arith.constant 0 : index
    %get3A_61 = arith.constant 0 : index
    %get3A_62 = vector.load %arg3[%get3A_60, %get3A_61] : memref<512x128xbf16, #tpu.memory_space<vmem>>, vector<512x128xbf16>
    %dot_general3A_63 = arith.constant dense<0.000000e+00> : vector<2560x128xf32>
    %dot_general3A_64 = tpu.matmul %convert_element_type3A_51, %get3A_62, %dot_general3A_63 {dimension_numbers = #tpu.dot_dimension_numbers<[1], [0], [0], [1], [0, 0, 1, 1], [], []>, transpose_lhs_hint = false} : vector<2560x512xbf16>, vector<512x128xbf16>, vector<2560x128xf32> -> vector<2560x128xf32>
    %add3A_65 = arith.addf %get3A_59, %dot_general3A_64 : vector<2560x128xf32>
    %get3A_66 = arith.constant 0 : index
    %get3A_67 = arith.constant 0 : index
    %get3A_68 = vector.load %arg4[%get3A_66, %get3A_67] : memref<512x128xbf16, #tpu.memory_space<vmem>>, vector<512x128xbf16>
    %dot_general3A_69 = arith.constant dense<0.000000e+00> : vector<2560x128xf32>
    %dot_general3A_70 = tpu.matmul %convert_element_type3A_56, %get3A_68, %dot_general3A_69 {dimension_numbers = #tpu.dot_dimension_numbers<[1], [0], [0], [1], [0, 0, 1, 1], [], []>, transpose_lhs_hint = false} : vector<2560x512xbf16>, vector<512x128xbf16>, vector<2560x128xf32> -> vector<2560x128xf32>
    %add3A_71 = arith.addf %add3A_65, %dot_general3A_70 : vector<2560x128xf32>
    %swap3A = arith.constant 0 : index
    %swap3A_72 = arith.constant 0 : index
    %swap3A_73 = vector.load %arg5[%swap3A, %swap3A_72] : memref<2560x128xf32, #tpu.memory_space<vmem>>, vector<2560x128xf32>
    tpu.vector_store %arg5[%swap3A, %swap3A_72], %add3A_71 {strides = array<i32>} : memref<2560x128xf32, #tpu.memory_space<vmem>>, vector<2560x128xf32>,
    return
  }
  func.func @transform_0(%arg0: i32) -> (i32, i32) {
    %c0_i32 = arith.constant 0 : i32
    %c0_i32_0 = arith.constant 0 : i32
    return %c0_i32, %arg0 : i32, i32
  }
  func.func @transform_1(%arg0: i32) -> (i32, i32) {
    %c0_i32 = arith.constant 0 : i32
    %c0_i32_0 = arith.constant 0 : i32
    return %arg0, %c0_i32 : i32, i32
  }
  func.func @transform_2(%arg0: i32) -> (i32, i32) {
    %c0_i32 = arith.constant 0 : i32
    %c0_i32_0 = arith.constant 0 : i32
    %c0_i32_1 = arith.constant 0 : i32
    return %c0_i32, %c0_i32_0 : i32, i32
  }
  func.func @transform_3(%arg0: i32) -> (i32, i32) {
    %c0_i32 = arith.constant 0 : i32
    %c0_i32_0 = arith.constant 0 : i32
    %c0_i32_1 = arith.constant 0 : i32
    return %c0_i32, %c0_i32_0 : i32, i32
  }
  func.func @transform_4(%arg0: i32) -> (i32, i32) {
    %c0_i32 = arith.constant 0 : i32
    %c0_i32_0 = arith.constant 0 : i32
    return %arg0, %c0_i32 : i32, i32
  }
}

</mosaic_0001>

<sc_bundles>
// kernel: kernel.4.cloned.1.call-start
scs
__scs_entry_jumppad:
0x0: {  	(pc) =	sbr.rel $0x88, $3  }
0x1: {  	(tag) =	ssettag $0x0;
	lr =	simm.s32 $0x1  }
0x2: {  	[smem:$0x3F9D] =	sst lr;
	_ =	strace $0xD0000000  }
0x3: {  	_ = 	snop  }
0x4: {  	_ = 	snop  }
0x5: {  	_ = 	snop  }
0x6: {  	_ = 	snop  }
0x7: {  	_ = 	snop  }
__scs_overlays_trampoline_lowered:
0x8: {  	[smem:$0x3FAC] =	sst s0  }
0x9: {  	[smem:$0x3FAD] =	sst s1  }
0xa: {  	[smem:$0x3FAE] =	sst s2  }
0xb: {  	[smem:$0x3FAF] =	sst s3  }
0xc: {  	[smem:$0x3FB0] =	sst s4  }
0xd: {  	[smem:$0x3FB1] =	sst s5  }
0xe: {  	[smem:$0x3FB2] =	sst s6  }
0xf: {  	[smem:$0x3FB3] =	sst s7  }
0x10: {  	[smem:$0x3FB4] =	sst s8  }
0x11: {  	[smem:$0x3FB5] =	sst s9;
	s0 =	simm.s32 @!p0 $0x0  }
0x12: {  	s1 =	sld [smem:$0x3F9B];
	s0 =	simm.s32 @p0 $0x1  }
0x13: {  	[smem:$0x3FB6] =	sst s0;
	s0 =	simm.s32 @!p1 $0x0  }
0x14: {  	s2 =	sld [smem:$0x3F9A];
	s0 =	simm.s32 @p1 $0x1  }
0x15: {  	[smem:$0x3FB7] =	sst s0;
	s0 =	simm.s32 @!p2 $0x0  }
0x16: {  	s3 =	sld [smem:$0x3FDB];
	s0 =	simm.s32 @p2 $0x1  }
0x17: {  	s4 =	simm.s32 $0x1BF5;
	[smem:$0x3FB9] =	sst s0  }
0x18: {  	s0 =	sld [smem:$0x3F9C];
	_ =	swait.ge [sflag:s4], $0x0  }
0x19: {  	s7 =	sld [smem:$0x3F9D]  }
0x1a: {  	s8 =	sadd.s32 $0xFFFFE003, lr  }
0x1b: {  	s9 =	sadd.s32 $0xFFFFFEF7, lr;
	s5 =	simm.s32 $0xFFFFFFFF;
	p2 =	slt.u32 s8, $0xFFFFF086  }
0x1c: {  	p1 =	slt.u32 s9, $0xF7A;
	s5 =	simm.s32 @!p2 $0x0  }
0x1d: {  	s5 =	simm.s32 @p1 $0x1;
	p0 =	seq.s32 s7, s2  }
0x1e: {  	s7 =	smul.u32 @!p0 $0xF7A, s2;
	p2 =	seq.s32 @!p0 s5, $0x0  }
0x1f: {  	s9 =	smul.u32 $0xF7A, s1;
	s8 =	simm.s32 @!p0 $0x1BF5;
	p2 =	por !p2, p0  }
0x20: {  	[sflag:s8] =	ssyncset.s32 @!p0 $0xFFFFF086;
	s6 =	sadd.s32 @!p0 s3, s7;
	s7 =	simm.s32 @!p0 $0x108  }
0x21: {  	s3 =	sadd.s32 s3, s9;
	s6 =	sadd.s32 @!p0 $0x88, s6;
	s7 =	simm.s32 @p2 $0x1082  }
0x22: {  	[simem:s7], [sflag:s8] =	dma.local @!p0 [hbm:s6], $0xF7A  }
0x23: {  	s9 =	sor.u32 $0xD0000000, s2;
	s6 =	simm.s32 $0x108;
	_ =	swait.ge @!p0 [sflag:s8], $0x0  }
0x24: {  	s3 =	sadd.s32 $0x88, s3;
	s6 =	simm.s32 @!p1 $0x1082;
	[sflag:s4] =	ssyncset.s32 $0xFFFFF086  }
0x25: {  	[simem:s6], [sflag:s4] =	dma.local [hbm:s3], $0xF7A  }
0x26: {  	[smem:$0x3F9D] =	sst s1;
	(tag) =	ssettag s2;
	_ =	strace s9  }
0x27: {  	s1 =	sld [smem:$0x3FAD]  }
0x28: {  	s2 =	sld [smem:$0x3FAE]  }
0x29: {  	s4 =	sld [smem:$0x3FB0]  }
0x2a: {  	p0 =	seq.s32 s5, $0x0;
	s5 =	sld [smem:$0x3FB1]  }
0x2b: {  	s6 =	sld [smem:$0x3FB2]  }
0x2c: {  	s7 =	sld [smem:$0x3FB3]  }
0x2d: {  	s3 =	simm.s32 $0x108;
	s8 =	sld [smem:$0x3FB4]  }
0x2e: {  	s3 =	simm.s32 @!p0 $0x1082;
	s9 =	sld [smem:$0x3FB5]  }
0x2f: {  	lr =	sadd.s32 s0, s3;
	s0 =	sld [smem:$0x3FAC]  }
0x30: {  	s3 =	sld [smem:$0x3FAF]  }
0x31: {  	[smem:$0x3FB8] =	sst s10  }
0x32: {  	s10 =	sld [smem:$0x3FB6];
	_ =	sdelay $0x3  }
0x33: {  	p0 =	seq.s32 s10, $0x1;
	s10 =	sld [smem:$0x3FB8];
	_ =	sdelay $0x3  }
0x34: {  	[smem:$0x3FB8] =	sst s10  }
0x35: {  	s10 =	sld [smem:$0x3FB7];
	_ =	sdelay $0x3  }
0x36: {  	p1 =	seq.s32 s10, $0x1;
	s10 =	sld [smem:$0x3FB8];
	_ =	sdelay $0x3  }
0x37: {  	[smem:$0x3FB8] =	sst s10  }
0x38: {  	s10 =	sld [smem:$0x3FB9]  }
0x39: {  	_ = 	snop;
	(pc) =	sbr.ind lr, $3  }
0x3a: {  	_ = 	snop  }
0x3b: {  	_ = 	snop  }
0x3c: {  	p2 =	seq.s32 s10, $0x1;
	s10 =	sld [smem:$0x3FB8]  }
0x3d: {  	_ =	shalt  }
0x3e: {  	_ =	shalt  }
0x3f: {  	_ =	shalt  }
0x40: {  	_ =	shalt  }
0x41: {  	_ =	shalt  }
0x42: {  	_ =	shalt  }
0x43: {  	_ =	shalt  }
0x44: {  	_ =	shalt  }
0x45: {  	_ =	shalt  }
0x46: {  	_ =	shalt  }
0x47: {  	_ =	shalt  }
0x48: {  	_ =	shalt  }
0x49: {  	_ =	shalt  }
0x4a: {  	_ =	shalt  }
0x4b: {  	_ =	shalt  }
0x4c: {  	_ =	shalt  }
0x4d: {  	_ =	shalt  }
0x4e: {  	_ =	shalt  }
0x4f: {  	_ =	shalt  }
0x50: {  	_ =	shalt  }
0x51: {  	_ =	shalt  }
0x52: {  	_ =	shalt  }
0x53: {  	_ =	shalt  }
0x54: {  	_ =	shalt  }
0x55: {  	_ =	shalt  }
0x56: {  	_ =	shalt  }
0x57: {  	_ =	shalt  }
0x58: {  	_ =	shalt  }
0x59: {  	_ =	shalt  }
0x5a: {  	_ =	shalt  }
0x5b: {  	_ =	shalt  }
0x5c: {  	_ =	shalt  }
0x5d: {  	_ =	shalt  }
0x5e: {  	_ =	shalt  }
0x5f: {  	_ =	shalt  }
0x60: {  	_ =	shalt  }
0x61: {  	_ =	shalt  }
0x62: {  	_ =	shalt  }
0x63: {  	_ =	shalt  }
0x64: {  	_ =	shalt  }
0x65: {  	_ =	shalt  }
0x66: {  	_ =	shalt  }
0x67: {  	_ =	shalt  }
0x68: {  	_ =	shalt  }
0x69: {  	_ =	shalt  }
0x6a: {  	_ =	shalt  }
0x6b: {  	_ =	shalt  }
0x6c: {  	_ =	shalt  }
0x6d: {  	_ =	shalt  }
0x6e: {  	_ =	shalt  }
0x6f: {  	_ =	shalt  }
0x70: {  	_ =	shalt  }
0x71: {  	_ =	shalt  }
0x72: {  	_ =	shalt  }
0x73: {  	_ =	shalt  }
0x74: {  	_ =	shalt  }
0x75: {  	_ =	shalt  }
0x76: {  	_ =	shalt  }
0x77: {  	_ =	shalt  }
0x78: {  	_ =	shalt  }
0x79: {  	_ =	shalt  }
0x7a: {  	_ =	shalt  }
0x7b: {  	_ =	shalt  }
0x7c: {  	_ =	shalt  }
0x7d: {  	_ =	shalt  }
0x7e: {  	_ =	shalt  }
0x7f: {  	_ =	shalt  }
0x80: {  	_ =	shalt  }
0x81: {  	_ =	shalt  }
0x82: {  	_ =	shalt  }
0x83: {  	_ =	shalt  }
0x84: {  	_ =	shalt  }
0x85: {  	_ =	shalt  }
0x86: {  	_ =	shalt  }
0x87: {  	_ =	shalt  }
.Lfunc_end0:
.L_simem_size_0:
called_computation_lowered:
.L_overlay_start_0:
0x88: {  	s2 =	sld [smem:$0x3FD9]  }
0x89: {  	s3 =	sld [smem:$0x3FFE];
	_ =	sdelay $0x1  }
0x8a: {  	s1 =	srdreg.scid  }
0x8b: {  	s0 =	sand.u32 $0x1, s1  }
0x8c: {  	s18 =	sshll.u32 s0, $0xA;
	s2 =	sadd.s32 s3, s2  }
0x8d: {  	s2 =	sadd.s32 s2, s18  }
0x8e: {  	[smem:$0x3FC4] =	sst s2  }
0x8f: {  	_ = 	snop  }
0x90: {  	s2 =	sld [smem:$0x3FC8]  }
0x91: {  	s19 =	sld [smem:$0x3FD0];
	(tm) =	ssettm $0x1  }
0x92: {  	s4 =	sld [smem:$0x3FFB];
	_ =	sdelay $0x3  }
0x93: {  	_ =	strace s4  }
0x94: {  	s4 =	sld [smem:$0x3FFC];
	_ =	sdelay $0x3  }
0x95: {  	_ =	strace s4  }
0x96: {  	s4 =	sld [smem:$0x3FFD];
	_ =	sdelay $0x3  }
0x97: {  	_ =	strace s4  }
0x98: {  	_ =	strace $0x8FFFFFFF  }
0x99: {  	s20 =	sld [smem:$0x3FDB];
	_ =	sdelay $0x1  }
0x9a: {  	s5 =	simm.s32 $_scs_section_size  }
0x9b: {  	s6 =	simm.s32 $_size__tile_overlayer_lowered;
	s7 =	simm.s32 $_tile_overlayer_lowered  }
0x9c: {  	s23 =	simm.s32 $0x1BFF;
	s22 =	sshll.u32 s7, $0x1;
	s4 =	sadd.s32 s5, s20  }
0x9d: {  	s8 =	simm.s32 $0x0;
	s21 =	sshll.u32 s6, $0x1;
	s6 =	sadd.s32 s22, s4  }
0x9e: {  	[timem:s8], [sflag:s23] =	dma.local [hbm:s6], s21  }
0x9f: {  	_ =	swait.ge [sflag:s23], s21  }
0xa0: {  	s5 =	ssub.s32 $0x0, s21;
	[sflag:s23] =	ssyncset.done $0x0  }
0xa1: {  	[sflag:s23] =	ssyncadd.s32 s5;
	_ =	sdelay $0x1  }
0xa2: {  	s24 =	simm.s32 $0x1B8B  }
0xa3: {  	_ =	swait.ge [sflag:s24], $0x1  }
0xa4: {  	[sflag:s24] =	ssyncset.done $0x0  }
0xa5: {  	s25 =	simm.s32 $0x1B8E;
	[sflag:s24] =	ssyncadd.s32 $0xFFFFFFFF  }
0xa6: {  	s26 =	simm.s32 $execute0_lowered;
	[smem:$0x3FD2] =	sst s25  }
0xa7: {  	s5 =	sshll.u32 s26, $0x1;
	_ =	strace $0x80000046;
	[dreg:$0x1] =	wrdreg $0xFFFFFFFF  }
0xa8: {  	s28 =	simm.s32 $_size_execute0_lowered;
	s4 =	sadd.s32 s4, s5;
	[dreg:$0x0] =	wrdreg $0x0  }
0xa9: {  	s5 =	sshll.u32 s28, $0x1;
	[dreg:$0x2] =	wrdreg s4  }
0xaa: {  	[dreg:$0x3] =	wrdreg s5  }
0xab: {  	[dreg:$0x4] =	wrdreg $0xC0  }
0xac: {  	_ =	task [dreg:s8], $0x5FFFF  }
0xad: {  	[dreg:$0x1] =	wrdreg $0xFFFFFFFF  }
0xae: {  	[dreg:$0x0] =	wrdreg $0x60  }
0xaf: {  	[dreg:$0x2] =	wrdreg s2  }
0xb0: {  	[dreg:$0x3] =	wrdreg s19  }
0xb1: {  	[dreg:$0x4] =	wrdreg $0x9  }
0xb2: {  	_ =	task.clear_ibuf [dreg:s8], $0x5FFFF;
	_ =	strace $0x90000046  }
0xb3: {  	s29 =	simm.s32 $0x9;
	_ =	strace $0x80000048  }
0xb4: {  	_ =	swait.ge [sflag:s29], $0x1  }
0xb5: {  	[sflag:s29] =	ssyncadd.s32 $0xFFFFFFFF  }
0xb6: {  	_ =	strace $0x90000048  }
0xb7: {  	_ =	sfence  }
0xb8: {  	s30 =	sld [smem:$0x0];
	_ =	sdelay $0x2  }
0xb9: {  	s31 =	sshll.u32 s1, $0xD;
	s1 =	sshrl.u32 s1, $0x2  }
0xba: {  	s3 =	sand.u32 $0x4000, s31;
	s1 =	sadd.s32 s1, s30  }
0xbb: {  	s0 =	sor.u32 s3, s0;
	s1 =	sshll.u32 s1, $0x11  }
0xbc: {  	s0 =	sor.u32 s1, s0  }
0xbd: {  	s0 =	sadd.s32 $0x8F2B, s0  }
0xbe: {  	[sflag:s0] =	ssyncadd.remote.s32 $0x1  }
0xbf: {  	_ =	sfence.sel $0xFFFF  }
0xc0: {  	[dreg:$0x0] =	wrdreg $0xFFFFFFFF;
	(pc) =	sbr.abs _section_cstart, $3  }
0xc1: {  	[dreg:$0x1] =	wrdreg $0xFFFFFFFF  }
0xc2: {  	_ =	task.clear_ibuf [dreg:s8], $0x2FFFF;
	_ =	strace $0x9FFFFFFF  }
0xc3: {  	(tm) =	ssettm $0x7FFFFFFF  }
tec
execute0_lowered:
.L_overlay_start_1:
0x0: {  	(tag) =	ssettag $0x1  }
0x1: {  	s3 =	rddreg [dreg:$0x0];
	s1 =	srdreg.scid  }
0x2: {  	s0 =	stileid.u32;
	s4 =	rddreg [dreg:$0x1]  }
0x3: {  	s2 =	simm.s32 $0x0;
	s5 =	sand.u32 $0x1, s1;
	s1 =	rddreg [dreg:$0x2]  }
0x4: {  	s6 =	sshll.u32 s0, $0x1;
	[smem:$0x7FF] =	sst s2;
	s8 =	sshrl.u32 s0, $0x2  }
0x5: {  	p0 =	sgt.u32 s0, $0x1;
	s6 =	sor.u32 s5, s6;
	s8 =	smul.u32 $0x13C00, s8  }
0x6: {  	_ =	strace $0x80000047;
	s5 =	ssub.s32 $0x2, s5;
	s7 =	smul.u32 $0x2700, s6  }
0x7: {  	s9 =	smin.u32 s6, $0x4;
	s6 =	sshll.u32 s6, $0x7;
	s31 =	sshrl.u32 s5, $0x1  }
.Ltmp0:
0x8: {  	s9 =	sshll.u32 s9, $0x7;
	s6 =	sand.u32 $0x380, s6;
	(pc) =	sbr.rel .LBB2_1-.Ltmp0, $4  }
0x9: {  	s5 =	ssub.s32 s5, s31;
	s7 =	sadd.s32 s7, s9;
	s6 =	sor.u32 s8, s6  }
0xa: {  	s5 =	smax.u32 s5, $0x1;
	s8 =	simm.s32 $0x80;
	s7 =	sshrl.u32 s7, $0x2  }
0xb: {  	s9 =	simm.s32 $0x400;
	s6 =	sshrl.u32 s6, $0x3;
	s3 =	sadd.s32 s3, s7  }
0xc: {  	v0 =	vimm.s32 $0x0;
	s4 =	sadd.s32 s4, s6;
	s6 =	simm.s32 $0x1;
	s7 =	simm.s32 $0x4F00  }
.LBB2_11:
0xd: {  	_ =	sdelay $0x4  }
0xe: {  	s10 =	sshra.s32 s10, $0x2;
	[tilespmem:v1+s7+$0x0] =	vst.idx.add.s32.msk vm0, v2  }
0xf: {  	v1 =	vld [tilespmem:s10+$0x0]  }
0x10: {  	v2 =	vld [tilespmem:s10+$0x10]  }
0x11: {  	v3 =	vld [tilespmem:s10+$0x20]  }
0x12: {  	v4 =	vld [tilespmem:s10+$0x30]  }
0x13: {  	v5 =	vld [tilespmem:s10+$0x40]  }
0x14: {  	v6 =	vld [tilespmem:s10+$0x50];
	(xrf1) =	vunique.msk.u32 $0xffff, v1  }
0x15: {  	v7 =	vld [tilespmem:s10+$0x60];
	(xrf1) =	vunique.msk.u32 $0xffff, v2  }
0x16: {  	(xrf1) =	vunique.msk.u32 $0xffff, v3  }
0x17: {  	(xrf1) =	vunique.msk.u32 $0xffff, v4  }
0x18: {  	(xrf1) =	vunique.msk.u32 $0xffff, v5  }
0x19: {  	v8 =	vld [tilespmem:s10+$0x70];
	(xrf1) =	vunique.msk.u32 $0xffff, v6  }
0x1a: {  	v9 =	vld [tilespmem:s10+$0x80];
	(xrf1) =	vunique.msk.u32 $0xffff, v7  }
0x1b: {  	v10 =	vld [tilespmem:s10+$0x90]  }
0x1c: {  	v11 =	vld [tilespmem:s10+$0xA0]  }
0x1d: {  	v12 =	vld [tilespmem:s10+$0xB0]  }
0x1e: {  	v13 =	vld [tilespmem:s10+$0xC0];
	(xrf1) =	vunique.msk.u32 $0xffff, v8  }
0x1f: {  	v14 =	vld [tilespmem:s10+$0xD0];
	(xrf1) =	vunique.msk.u32 $0xffff, v9  }
0x20: {  	v15 =	vld [tilespmem:s10+$0xE0];
	(xrf1) =	vunique.msk.u32 $0xffff, v10  }
0x21: {  	v16 =	vld [tilespmem:s10+$0xF0];
	(xrf1) =	vunique.msk.u32 $0xffff, v11  }
0x22: {  	(xrf1) =	vunique.msk.u32 $0xffff, v12;
	_, v17, vm14 =	vpop (xrf1)  }
0x23: {  	(xrf1) =	vunique.msk.u32 $0xffff, v13;
	_, v18, vm1 =	vpop (xrf1)  }
0x24: {  	(xrf1) =	vunique.msk.u32 $0xffff, v14;
	v17 =	vshll.u32 v17, $0x10;
	_, v19, vm2 =	vpop (xrf1)  }
0x25: {  	(xrf1) =	vunique.msk.u32 $0xffff, v15;
	_, v20, vm3 =	vpop (xrf1)  }
0x26: {  	(xrf1) =	vunique.msk.u32 $0xffff, v16;
	_, v21, vm4 =	vpop (xrf1)  }
0x27: {  	_, v22, vm5 =	vpop (xrf1)  }
0x28: {  	[tilespmem:v1+s7+$0x0] =	vst.idx.add.s32.msk vm14, v17;
	v1 =	vshll.u32 v18, $0x10;
	_, v17, vm0 =	vpop (xrf1)  }
0x29: {  	[tilespmem:v2+s7+$0x0] =	vst.idx.add.s32.msk vm1, v1;
	v1 =	vshll.u32 v19, $0x10  }
0x2a: {  	[tilespmem:v3+s7+$0x0] =	vst.idx.add.s32.msk vm2, v1;
	v1 =	vshll.u32 v20, $0x10  }
0x2b: {  	[tilespmem:v4+s7+$0x0] =	vst.idx.add.s32.msk vm3, v1;
	v1 =	vshll.u32 v21, $0x10  }
0x2c: {  	_, v2, vm1 =	vpop (xrf1);
	[tilespmem:v5+s7+$0x0] =	vst.idx.add.s32.msk vm4, v1;
	v1 =	vshll.u32 v22, $0x10  }
0x2d: {  	_, v3, vm2 =	vpop (xrf1);
	[tilespmem:v6+s7+$0x0] =	vst.idx.add.s32.msk vm5, v1;
	v1 =	vshll.u32 v17, $0x10  }
0x2e: {  	_, v4, vm3 =	vpop (xrf1);
	[tilespmem:v7+s7+$0x0] =	vst.idx.add.s32.msk vm0, v1;
	v1 =	vshll.u32 v2, $0x10  }
0x2f: {  	_, v5, vm4 =	vpop (xrf1)  }
0x30: {  	_, v6, vm5 =	vpop (xrf1)  }
0x31: {  	_, v2, vm15 =	vpop (xrf1)  }
0x32: {  	[tilespmem:v8+s7+$0x0] =	vst.idx.add.s32.msk vm1, v1;
	_, v1, vm1 =	vpop (xrf1)  }
0x33: {  	[tilespmem:v9+s7+$0x0] =	vst.idx.add.s32.msk vm2, v3;
	_, v3, vm2 =	vpop (xrf1)  }
0x34: {  	[tilespmem:v10+s7+$0x0] =	vst.idx.add.s32.msk vm3, v4;
	_, v4, vm3 =	vpop (xrf1)  }
0x35: {  	[tilespmem:v11+s7+$0x0] =	vst.idx.add.s32.msk vm4, v5  }
0x36: {  	[tilespmem:v12+s7+$0x0] =	vst.idx.add.s32.msk vm5, v6  }
0x37: {  	[tilespmem:v13+s7+$0x0] =	vst.idx.add.s32.msk vm15, v2  }
0x38: {  	[tilespmem:v14+s7+$0x0] =	vst.idx.add.s32.msk vm1, v1  }
0x39: {  	[tilespmem:v15+s7+$0x0] =	vst.idx.add.s32.msk vm2, v3  }
0x3a: {  	[tilespmem:v16+s7+$0x0] =	vst.idx.add.s32.msk vm3, v4  }
.LBB2_12:
0x3b: {  	s2 =	sadd.s32 $0x1, s2  }
0x3c: {  	p1 =	sne.s32 s2, s5  }
.Ltmp1:
0x3d: {  	_ = 	snop;
	(pc) =	sbr.rel @!p1 .LBB2_13-.Ltmp1, $4  }
0x3e: {  	[hbm4b:s4+s8] =	stream.strided.scatter [tilespmem:s7], [sflag:$0x1], $0x2780, s9, s8, $0x38;
	[tilespmem:$0x7680] =	vst v63  }
0x3f: {  	_ =	swait.ge [sflag:s6], $0x2780  }
0x40: {  	[sflag:s6] =	ssyncset.done $0x0  }
0x41: {  	[sflag:s6] =	ssyncadd.s32 $0xFFFFD880  }
.LBB2_1:
.Ltmp2:
0x42: {  	(pc) =	sbr.rel @p0 .LBB2_7-.Ltmp2, $2  }
0x43: {  	_ =	sdelay $0x2  }
0x44: {  	s10 =	simm.s32 $0x0  }
0x45: {  	[tilespmem:s10], [sflag:$0x1] =	stream.linear.gather [hbm4b:s3+s10], $0x4F00, $0x38;
	[tilespmem:$0x7680] =	vst v63  }
0x46: {  	s10 =	simm.s32 $0x0;
	s11 =	simm.s32 $0x200  }
.LBB2_3:
0x47: {  	p1 =	sne.s32 s11, $0x9A00;
	[tilespmem:s10+$0x4F70] =	vst v0  }
0x48: {  	[tilespmem:s10+$0x4F00] =	vst v0  }
0x49: {  	[tilespmem:s10+$0x4F10] =	vst v0  }
.Ltmp3:
0x4a: {  	[tilespmem:s10+$0x4F20] =	vst v0;
	(pc) =	sbr.rel @p1 .LBB2_3-.Ltmp3, $4  }
0x4b: {  	[tilespmem:s10+$0x4F30] =	vst v0  }
0x4c: {  	[tilespmem:s10+$0x4F40] =	vst v0  }
0x4d: {  	[tilespmem:s10+$0x4F50] =	vst v0  }
0x4e: {  	[tilespmem:s10+$0x4F60] =	vst v0;
	s10 =	sshra.s32 s11, $0x2;
	s11 =	sadd.s32 $0x200, s11  }
0x4f: {  	[tilespmem:s10+$0x4F70] =	vst v0  }
0x50: {  	[tilespmem:s10+$0x4F00] =	vst v0  }
0x51: {  	[tilespmem:s10+$0x4F10] =	vst v0  }
0x52: {  	[tilespmem:s10+$0x4F20] =	vst v0  }
0x53: {  	[tilespmem:s10+$0x4F30] =	vst v0  }
0x54: {  	[tilespmem:s10+$0x4F40] =	vst v0  }
0x55: {  	[tilespmem:s10+$0x4F50] =	vst v0  }
0x56: {  	[tilespmem:s10+$0x4F60] =	vst v0  }
0x57: {  	[tilespmem:$0x7600] =	vst v0  }
0x58: {  	_ =	swait.ge [sflag:s6], $0x4F00  }
0x59: {  	[sflag:s6] =	ssyncset.done $0x0  }
0x5a: {  	s31 =	simm.s32 $0x0;
	[sflag:s6] =	ssyncadd.s32 $0xFFFFB100  }
0x5b: {  	v2 =	vld [tilespmem:s31+$0x0]  }
0x5c: {  	v3 =	vld [tilespmem:s31+$0x10]  }
0x5d: {  	v4 =	vld [tilespmem:s31+$0x20]  }
0x5e: {  	v5 =	vld [tilespmem:s31+$0x30]  }
0x5f: {  	v6 =	vld [tilespmem:s31+$0x40]  }
0x60: {  	v7 =	vld [tilespmem:s31+$0x50];
	(xrf1) =	vunique.msk.u32 $0xffff, v2  }
0x61: {  	v8 =	vld [tilespmem:s31+$0x60];
	(xrf1) =	vunique.msk.u32 $0xffff, v3  }
0x62: {  	(xrf1) =	vunique.msk.u32 $0xffff, v4  }
0x63: {  	(xrf1) =	vunique.msk.u32 $0xffff, v5  }
0x64: {  	(xrf1) =	vunique.msk.u32 $0xffff, v6  }
0x65: {  	v9 =	vld [tilespmem:s31+$0x70];
	(xrf1) =	vunique.msk.u32 $0xffff, v7  }
0x66: {  	v10 =	vld [tilespmem:s31+$0x80];
	(xrf1) =	vunique.msk.u32 $0xffff, v8  }
0x67: {  	v11 =	vld [tilespmem:s31+$0x90]  }
0x68: {  	v12 =	vld [tilespmem:s31+$0xA0]  }
0x69: {  	v13 =	vld [tilespmem:s31+$0xB0]  }
0x6a: {  	v14 =	vld [tilespmem:s31+$0xC0];
	(xrf1) =	vunique.msk.u32 $0xffff, v9  }
0x6b: {  	v15 =	vld [tilespmem:s31+$0xD0];
	(xrf1) =	vunique.msk.u32 $0xffff, v10  }
0x6c: {  	(xrf1) =	vunique.msk.u32 $0xffff, v11  }
0x6d: {  	(xrf1) =	vunique.msk.u32 $0xffff, v12  }
0x6e: {  	(xrf1) =	vunique.msk.u32 $0xffff, v13;
	_, v17, vm0 =	vpop (xrf1)  }
0x6f: {  	v16 =	vld [tilespmem:s31+$0xE0];
	(xrf1) =	vunique.msk.u32 $0xffff, v14;
	_, v18, vm1 =	vpop (xrf1)  }
0x70: {  	(xrf1) =	vunique.msk.u32 $0xffff, v15;
	v17 =	vshll.u32 v17, $0x10;
	_, v19, vm2 =	vpop (xrf1)  }
0x71: {  	v1 =	vld [tilespmem:s31+$0xF0];
	_, v20, vm3 =	vpop (xrf1)  }
0x72: {  	_, v21, vm4 =	vpop (xrf1)  }
0x73: {  	_, v22, vm5 =	vpop (xrf1)  }
0x74: {  	(xrf1) =	vunique.msk.u32 $0xffff, v16;
	[tilespmem:v2+s7+$0x0] =	vst.idx.add.s32.msk vm0, v17;
	v2 =	vshll.u32 v18, $0x10;
	_, v17, vm0 =	vpop (xrf1)  }
0x75: {  	[tilespmem:v3+s7+$0x0] =	vst.idx.add.s32.msk vm1, v2;
	v2 =	vshll.u32 v19, $0x10  }
0x76: {  	(xrf1) =	vunique.msk.u32 $0xffff, v1;
	[tilespmem:v4+s7+$0x0] =	vst.idx.add.s32.msk vm2, v2;
	v2 =	vshll.u32 v20, $0x10  }
0x77: {  	[tilespmem:v5+s7+$0x0] =	vst.idx.add.s32.msk vm3, v2;
	v2 =	vshll.u32 v21, $0x10  }
0x78: {  	_, v3, vm1 =	vpop (xrf1);
	[tilespmem:v6+s7+$0x0] =	vst.idx.add.s32.msk vm4, v2;
	v2 =	vshll.u32 v22, $0x10  }
0x79: {  	_, v4, vm2 =	vpop (xrf1);
	[tilespmem:v7+s7+$0x0] =	vst.idx.add.s32.msk vm5, v2;
	v2 =	vshll.u32 v17, $0x10  }
0x7a: {  	_, v5, vm3 =	vpop (xrf1);
	[tilespmem:v8+s7+$0x0] =	vst.idx.add.s32.msk vm0, v2;
	v2 =	vshll.u32 v3, $0x10  }
0x7b: {  	_, v6, vm4 =	vpop (xrf1)  }
0x7c: {  	_, v7, vm5 =	vpop (xrf1)  }
0x7d: {  	_, v3, vm0 =	vpop (xrf1)  }
0x7e: {  	[tilespmem:v9+s7+$0x0] =	vst.idx.add.s32.msk vm1, v2;
	_, v2, vm1 =	vpop (xrf1)  }
0x7f: {  	[tilespmem:v10+s7+$0x0] =	vst.idx.add.s32.msk vm2, v4  }
0x80: {  	[tilespmem:v11+s7+$0x0] =	vst.idx.add.s32.msk vm3, v5  }
0x81: {  	[tilespmem:v12+s7+$0x0] =	vst.idx.add.s32.msk vm4, v6  }
0x82: {  	_, v4, vm2 =	vpop (xrf1);
	[tilespmem:v13+s7+$0x0] =	vst.idx.add.s32.msk vm5, v7  }
0x83: {  	[tilespmem:v14+s7+$0x0] =	vst.idx.add.s32.msk vm0, v3  }
0x84: {  	[tilespmem:v15+s7+$0x0] =	vst.idx.add.s32.msk vm1, v2;
	_, v2, vm0 =	vpop (xrf1);
	_ =	sdelay $0x3  }
0x85: {  	s10 =	simm.s32 $0x400;
	s11 =	simm.s32 $0x800;
	[tilespmem:v16+s7+$0x0] =	vst.idx.add.s32.msk vm2, v4  }
.LBB2_5:
0x86: {  	p1 =	seq.s32 s11, $0x13800  }
0x87: {  	s12 =	sshra.s32 s10, $0x2;
	[tilespmem:v1+s7+$0x0] =	vst.idx.add.s32.msk vm0, v2;
	s10 =	smov.u32 s11;
	s11 =	sadd.s32 $0x400, s11  }
0x88: {  	v2 =	vld [tilespmem:s12+$0x0]  }
0x89: {  	v3 =	vld [tilespmem:s12+$0x10]  }
0x8a: {  	v4 =	vld [tilespmem:s12+$0x20]  }
0x8b: {  	v5 =	vld [tilespmem:s12+$0x30]  }
0x8c: {  	v6 =	vld [tilespmem:s12+$0x40]  }
0x8d: {  	v7 =	vld [tilespmem:s12+$0x50];
	(xrf1) =	vunique.msk.u32 $0xffff, v2  }
0x8e: {  	v8 =	vld [tilespmem:s12+$0x60];
	(xrf1) =	vunique.msk.u32 $0xffff, v3  }
0x8f: {  	v9 =	vld [tilespmem:s12+$0x70];
	(xrf1) =	vunique.msk.u32 $0xffff, v4  }
0x90: {  	v10 =	vld [tilespmem:s12+$0x80];
	(xrf1) =	vunique.msk.u32 $0xffff, v5  }
0x91: {  	v11 =	vld [tilespmem:s12+$0x90];
	(xrf1) =	vunique.msk.u32 $0xffff, v6  }
0x92: {  	v12 =	vld [tilespmem:s12+$0xA0];
	(xrf1) =	vunique.msk.u32 $0xffff, v7  }
0x93: {  	v13 =	vld [tilespmem:s12+$0xB0];
	(xrf1) =	vunique.msk.u32 $0xffff, v8  }
0x94: {  	v14 =	vld [tilespmem:s12+$0xC0];
	(xrf1) =	vunique.msk.u32 $0xffff, v9  }
0x95: {  	v15 =	vld [tilespmem:s12+$0xD0];
	(xrf1) =	vunique.msk.u32 $0xffff, v10  }
0x96: {  	v16 =	vld [tilespmem:s12+$0xE0];
	(xrf1) =	vunique.msk.u32 $0xffff, v11  }
0x97: {  	v1 =	vld [tilespmem:s12+$0xF0];
	(xrf1) =	vunique.msk.u32 $0xffff, v12  }
0x98: {  	(xrf1) =	vunique.msk.u32 $0xffff, v13  }
0x99: {  	(xrf1) =	vunique.msk.u32 $0xffff, v14  }
0x9a: {  	(xrf1) =	vunique.msk.u32 $0xffff, v15  }
0x9b: {  	_, v17, vm0 =	vpop (xrf1);
	(xrf1) =	vunique.msk.u32 $0xffff, v16  }
0x9c: {  	_, v18, vm1 =	vpop (xrf1);
	(xrf1) =	vunique.msk.u32 $0xffff, v1  }
0x9d: {  	_, v19, vm2 =	vpop (xrf1)  }
0x9e: {  	_, v20, vm3 =	vpop (xrf1)  }
0x9f: {  	_, v21, vm4 =	vpop (xrf1)  }
0xa0: {  	v23 =	vshll.u32 v17, $0x10;
	_, v22, vm5 =	vpop (xrf1)  }
0xa1: {  	[tilespmem:v2+s7+$0x0] =	vst.idx.add.s32.msk vm0, v23;
	v2 =	vshll.u32 v18, $0x10;
	_, v17, vm0 =	vpop (xrf1)  }
0xa2: {  	[tilespmem:v3+s7+$0x0] =	vst.idx.add.s32.msk vm1, v2;
	v2 =	vshll.u32 v19, $0x10;
	_, v3, vm1 =	vpop (xrf1)  }
0xa3: {  	[tilespmem:v4+s7+$0x0] =	vst.idx.add.s32.msk vm2, v2;
	v2 =	vshll.u32 v20, $0x10;
	_, v4, vm2 =	vpop (xrf1)  }
0xa4: {  	[tilespmem:v5+s7+$0x0] =	vst.idx.add.s32.msk vm3, v2;
	v2 =	vshll.u32 v21, $0x10;
	_, v5, vm3 =	vpop (xrf1)  }
0xa5: {  	[tilespmem:v6+s7+$0x0] =	vst.idx.add.s32.msk vm4, v2;
	v2 =	vshll.u32 v22, $0x10;
	_, v6, vm4 =	vpop (xrf1)  }
0xa6: {  	[tilespmem:v7+s7+$0x0] =	vst.idx.add.s32.msk vm5, v2;
	v2 =	vshll.u32 v17, $0x10;
	_, v7, vm5 =	vpop (xrf1)  }
0xa7: {  	v17 =	vshll.u32 v3, $0x10;
	[tilespmem:v8+s7+$0x0] =	vst.idx.add.s32.msk vm0, v2;
	_, v3, vm6 =	vpop (xrf1)  }
0xa8: {  	[tilespmem:v9+s7+$0x0] =	vst.idx.add.s32.msk vm1, v17;
	_, v8, vm1 =	vpop (xrf1)  }
0xa9: {  	[tilespmem:v10+s7+$0x0] =	vst.idx.add.s32.msk vm2, v4;
	_, v4, vm2 =	vpop (xrf1)  }
0xaa: {  	[tilespmem:v11+s7+$0x0] =	vst.idx.add.s32.msk vm3, v5;
	_, v2, vm0 =	vpop (xrf1)  }
.Ltmp4:
0xab: {  	[tilespmem:v12+s7+$0x0] =	vst.idx.add.s32.msk vm4, v6;
	(pc) =	sbr.rel @!p1 .LBB2_5-.Ltmp4, $4  }
0xac: {  	[tilespmem:v13+s7+$0x0] =	vst.idx.add.s32.msk vm5, v7  }
0xad: {  	[tilespmem:v14+s7+$0x0] =	vst.idx.add.s32.msk vm6, v3  }
0xae: {  	[tilespmem:v15+s7+$0x0] =	vst.idx.add.s32.msk vm1, v8  }
0xaf: {  	[tilespmem:v16+s7+$0x0] =	vst.idx.add.s32.msk vm2, v4  }
0xb0: {  	_ =	sdelay $0x4  }
0xb1: {  	s10 =	sshra.s32 s10, $0x2;
	[tilespmem:v1+s7+$0x0] =	vst.idx.add.s32.msk vm0, v2  }
0xb2: {  	v1 =	vld [tilespmem:s10+$0x0]  }
0xb3: {  	v2 =	vld [tilespmem:s10+$0x10]  }
0xb4: {  	v3 =	vld [tilespmem:s10+$0x20]  }
0xb5: {  	v4 =	vld [tilespmem:s10+$0x30]  }
0xb6: {  	v5 =	vld [tilespmem:s10+$0x40]  }
0xb7: {  	v6 =	vld [tilespmem:s10+$0x50];
	(xrf1) =	vunique.msk.u32 $0xffff, v1  }
0xb8: {  	v7 =	vld [tilespmem:s10+$0x60];
	(xrf1) =	vunique.msk.u32 $0xffff, v2  }
0xb9: {  	(xrf1) =	vunique.msk.u32 $0xffff, v3  }
0xba: {  	(xrf1) =	vunique.msk.u32 $0xffff, v4  }
0xbb: {  	(xrf1) =	vunique.msk.u32 $0xffff, v5  }
0xbc: {  	v8 =	vld [tilespmem:s10+$0x70];
	(xrf1) =	vunique.msk.u32 $0xffff, v6  }
0xbd: {  	v9 =	vld [tilespmem:s10+$0x80];
	(xrf1) =	vunique.msk.u32 $0xffff, v7  }
0xbe: {  	v10 =	vld [tilespmem:s10+$0x90]  }
0xbf: {  	v11 =	vld [tilespmem:s10+$0xA0]  }
0xc0: {  	v12 =	vld [tilespmem:s10+$0xB0]  }
0xc1: {  	v13 =	vld [tilespmem:s10+$0xC0];
	(xrf1) =	vunique.msk.u32 $0xffff, v8  }
0xc2: {  	v14 =	vld [tilespmem:s10+$0xD0];
	(xrf1) =	vunique.msk.u32 $0xffff, v9  }
0xc3: {  	v15 =	vld [tilespmem:s10+$0xE0];
	(xrf1) =	vunique.msk.u32 $0xffff, v10  }
0xc4: {  	v16 =	vld [tilespmem:s10+$0xF0];
	(xrf1) =	vunique.msk.u32 $0xffff, v11  }
0xc5: {  	(xrf1) =	vunique.msk.u32 $0xffff, v12;
	_, v17, vm14 =	vpop (xrf1)  }
0xc6: {  	(xrf1) =	vunique.msk.u32 $0xffff, v13;
	_, v18, vm1 =	vpop (xrf1)  }
0xc7: {  	(xrf1) =	vunique.msk.u32 $0xffff, v14;
	v17 =	vshll.u32 v17, $0x10;
	_, v19, vm2 =	vpop (xrf1)  }
0xc8: {  	(xrf1) =	vunique.msk.u32 $0xffff, v15;
	_, v20, vm3 =	vpop (xrf1)  }
0xc9: {  	(xrf1) =	vunique.msk.u32 $0xffff, v16;
	_, v21, vm4 =	vpop (xrf1)  }
0xca: {  	_, v22, vm5 =	vpop (xrf1)  }
0xcb: {  	[tilespmem:v1+s7+$0x0] =	vst.idx.add.s32.msk vm14, v17;
	v1 =	vshll.u32 v18, $0x10;
	_, v17, vm0 =	vpop (xrf1)  }
0xcc: {  	[tilespmem:v2+s7+$0x0] =	vst.idx.add.s32.msk vm1, v1;
	v1 =	vshll.u32 v19, $0x10  }
0xcd: {  	[tilespmem:v3+s7+$0x0] =	vst.idx.add.s32.msk vm2, v1;
	v1 =	vshll.u32 v20, $0x10  }
0xce: {  	[tilespmem:v4+s7+$0x0] =	vst.idx.add.s32.msk vm3, v1;
	v1 =	vshll.u32 v21, $0x10  }
0xcf: {  	_, v2, vm1 =	vpop (xrf1);
	[tilespmem:v5+s7+$0x0] =	vst.idx.add.s32.msk vm4, v1;
	v1 =	vshll.u32 v22, $0x10  }
0xd0: {  	_, v3, vm2 =	vpop (xrf1);
	[tilespmem:v6+s7+$0x0] =	vst.idx.add.s32.msk vm5, v1;
	v1 =	vshll.u32 v17, $0x10  }
0xd1: {  	_, v4, vm3 =	vpop (xrf1);
	[tilespmem:v7+s7+$0x0] =	vst.idx.add.s32.msk vm0, v1;
	v1 =	vshll.u32 v2, $0x10  }
0xd2: {  	_, v5, vm4 =	vpop (xrf1)  }
0xd3: {  	_, v6, vm5 =	vpop (xrf1)  }
0xd4: {  	_, v2, vm15 =	vpop (xrf1)  }
0xd5: {  	[tilespmem:v8+s7+$0x0] =	vst.idx.add.s32.msk vm1, v1;
	_, v1, vm1 =	vpop (xrf1)  }
0xd6: {  	[tilespmem:v9+s7+$0x0] =	vst.idx.add.s32.msk vm2, v3;
	_, v3, vm2 =	vpop (xrf1)  }
0xd7: {  	[tilespmem:v10+s7+$0x0] =	vst.idx.add.s32.msk vm3, v4;
	_, v4, vm3 =	vpop (xrf1)  }
0xd8: {  	[tilespmem:v11+s7+$0x0] =	vst.idx.add.s32.msk vm4, v5  }
.Ltmp5:
0xd9: {  	[tilespmem:v12+s7+$0x0] =	vst.idx.add.s32.msk vm5, v6;
	(pc) =	sbr.rel .LBB2_12-.Ltmp5, $4  }
0xda: {  	[tilespmem:v13+s7+$0x0] =	vst.idx.add.s32.msk vm15, v2  }
0xdb: {  	[tilespmem:v14+s7+$0x0] =	vst.idx.add.s32.msk vm1, v1  }
0xdc: {  	[tilespmem:v15+s7+$0x0] =	vst.idx.add.s32.msk vm2, v3  }
0xdd: {  	[tilespmem:v16+s7+$0x0] =	vst.idx.add.s32.msk vm3, v4  }
.LBB2_7:
0xde: {  	[tilespmem:s10], [sflag:$0x1] =	stream.linear.gather [hbm4b:s3+s10], $0x4E00, $0x38;
	[tilespmem:$0x7680] =	vst v63  }
0xdf: {  	s10 =	simm.s32 $0x0;
	s11 =	simm.s32 $0x200  }
.LBB2_8:
0xe0: {  	p1 =	sne.s32 s11, $0x9A00;
	[tilespmem:s10+$0x4F70] =	vst v0  }
0xe1: {  	[tilespmem:s10+$0x4F00] =	vst v0  }
0xe2: {  	[tilespmem:s10+$0x4F10] =	vst v0  }
.Ltmp6:
0xe3: {  	[tilespmem:s10+$0x4F20] =	vst v0;
	(pc) =	sbr.rel @p1 .LBB2_8-.Ltmp6, $4  }
0xe4: {  	[tilespmem:s10+$0x4F30] =	vst v0  }
0xe5: {  	[tilespmem:s10+$0x4F40] =	vst v0  }
0xe6: {  	[tilespmem:s10+$0x4F50] =	vst v0  }
0xe7: {  	[tilespmem:s10+$0x4F60] =	vst v0;
	s10 =	sshra.s32 s11, $0x2;
	s11 =	sadd.s32 $0x200, s11  }
0xe8: {  	[tilespmem:s10+$0x4F70] =	vst v0  }
0xe9: {  	[tilespmem:s10+$0x4F00] =	vst v0  }
0xea: {  	[tilespmem:s10+$0x4F10] =	vst v0  }
0xeb: {  	[tilespmem:s10+$0x4F20] =	vst v0  }
0xec: {  	[tilespmem:s10+$0x4F30] =	vst v0  }
0xed: {  	[tilespmem:s10+$0x4F40] =	vst v0  }
0xee: {  	[tilespmem:s10+$0x4F50] =	vst v0  }
0xef: {  	[tilespmem:s10+$0x4F60] =	vst v0  }
0xf0: {  	[tilespmem:$0x7600] =	vst v0  }
0xf1: {  	_ =	swait.ge [sflag:s6], $0x4E00  }
0xf2: {  	[sflag:s6] =	ssyncset.done $0x0  }
0xf3: {  	s31 =	simm.s32 $0x0;
	[sflag:s6] =	ssyncadd.s32 $0xFFFFB200  }
0xf4: {  	v2 =	vld [tilespmem:s31+$0x0]  }
0xf5: {  	v3 =	vld [tilespmem:s31+$0x10]  }
0xf6: {  	v4 =	vld [tilespmem:s31+$0x20]  }
0xf7: {  	v5 =	vld [tilespmem:s31+$0x30]  }
0xf8: {  	v6 =	vld [tilespmem:s31+$0x40]  }
0xf9: {  	v7 =	vld [tilespmem:s31+$0x50];
	(xrf1) =	vunique.msk.u32 $0xffff, v2  }
0xfa: {  	v8 =	vld [tilespmem:s31+$0x60];
	(xrf1) =	vunique.msk.u32 $0xffff, v3  }
0xfb: {  	(xrf1) =	vunique.msk.u32 $0xffff, v4  }
0xfc: {  	(xrf1) =	vunique.msk.u32 $0xffff, v5  }
0xfd: {  	(xrf1) =	vunique.msk.u32 $0xffff, v6  }
0xfe: {  	v9 =	vld [tilespmem:s31+$0x70];
	(xrf1) =	vunique.msk.u32 $0xffff, v7  }
0xff: {  	v10 =	vld [tilespmem:s31+$0x80];
	(xrf1) =	vunique.msk.u32 $0xffff, v8  }
0x100: {  	v11 =	vld [tilespmem:s31+$0x90]  }
0x101: {  	v12 =	vld [tilespmem:s31+$0xA0]  }
0x102: {  	v13 =	vld [tilespmem:s31+$0xB0]  }
0x103: {  	v14 =	vld [tilespmem:s31+$0xC0];
	(xrf1) =	vunique.msk.u32 $0xffff, v9  }
0x104: {  	v15 =	vld [tilespmem:s31+$0xD0];
	(xrf1) =	vunique.msk.u32 $0xffff, v10  }
0x105: {  	(xrf1) =	vunique.msk.u32 $0xffff, v11  }
0x106: {  	(xrf1) =	vunique.msk.u32 $0xffff, v12  }
0x107: {  	(xrf1) =	vunique.msk.u32 $0xffff, v13;
	_, v17, vm0 =	vpop (xrf1)  }
0x108: {  	v16 =	vld [tilespmem:s31+$0xE0];
	(xrf1) =	vunique.msk.u32 $0xffff, v14;
	_, v18, vm1 =	vpop (xrf1)  }
0x109: {  	(xrf1) =	vunique.msk.u32 $0xffff, v15;
	v17 =	vshll.u32 v17, $0x10;
	_, v19, vm2 =	vpop (xrf1)  }
0x10a: {  	v1 =	vld [tilespmem:s31+$0xF0];
	_, v20, vm3 =	vpop (xrf1)  }
0x10b: {  	_, v21, vm4 =	vpop (xrf1)  }
0x10c: {  	_, v22, vm5 =	vpop (xrf1)  }
0x10d: {  	(xrf1) =	vunique.msk.u32 $0xffff, v16;
	[tilespmem:v2+s7+$0x0] =	vst.idx.add.s32.msk vm0, v17;
	v2 =	vshll.u32 v18, $0x10;
	_, v17, vm0 =	vpop (xrf1)  }
0x10e: {  	[tilespmem:v3+s7+$0x0] =	vst.idx.add.s32.msk vm1, v2;
	v2 =	vshll.u32 v19, $0x10  }
0x10f: {  	(xrf1) =	vunique.msk.u32 $0xffff, v1;
	[tilespmem:v4+s7+$0x0] =	vst.idx.add.s32.msk vm2, v2;
	v2 =	vshll.u32 v20, $0x10  }
0x110: {  	[tilespmem:v5+s7+$0x0] =	vst.idx.add.s32.msk vm3, v2;
	v2 =	vshll.u32 v21, $0x10  }
0x111: {  	_, v3, vm1 =	vpop (xrf1);
	[tilespmem:v6+s7+$0x0] =	vst.idx.add.s32.msk vm4, v2;
	v2 =	vshll.u32 v22, $0x10  }
0x112: {  	_, v4, vm2 =	vpop (xrf1);
	[tilespmem:v7+s7+$0x0] =	vst.idx.add.s32.msk vm5, v2;
	v2 =	vshll.u32 v17, $0x10  }
0x113: {  	_, v5, vm3 =	vpop (xrf1);
	[tilespmem:v8+s7+$0x0] =	vst.idx.add.s32.msk vm0, v2;
	v2 =	vshll.u32 v3, $0x10  }
0x114: {  	_, v6, vm4 =	vpop (xrf1)  }
0x115: {  	_, v7, vm5 =	vpop (xrf1)  }
0x116: {  	_, v3, vm0 =	vpop (xrf1)  }
0x117: {  	[tilespmem:v9+s7+$0x0] =	vst.idx.add.s32.msk vm1, v2;
	_, v2, vm1 =	vpop (xrf1)  }
0x118: {  	[tilespmem:v10+s7+$0x0] =	vst.idx.add.s32.msk vm2, v4  }
0x119: {  	[tilespmem:v11+s7+$0x0] =	vst.idx.add.s32.msk vm3, v5  }
0x11a: {  	[tilespmem:v12+s7+$0x0] =	vst.idx.add.s32.msk vm4, v6  }
0x11b: {  	_, v4, vm2 =	vpop (xrf1);
	[tilespmem:v13+s7+$0x0] =	vst.idx.add.s32.msk vm5, v7  }
0x11c: {  	[tilespmem:v14+s7+$0x0] =	vst.idx.add.s32.msk vm0, v3  }
0x11d: {  	[tilespmem:v15+s7+$0x0] =	vst.idx.add.s32.msk vm1, v2;
	_, v2, vm0 =	vpop (xrf1);
	_ =	sdelay $0x3  }
0x11e: {  	s10 =	simm.s32 $0x400;
	s11 =	simm.s32 $0x800;
	[tilespmem:v16+s7+$0x0] =	vst.idx.add.s32.msk vm2, v4  }
.LBB2_10:
0x11f: {  	p1 =	sne.s32 s11, $0x13400  }
0x120: {  	s12 =	sshra.s32 s10, $0x2;
	[tilespmem:v1+s7+$0x0] =	vst.idx.add.s32.msk vm0, v2;
	s10 =	smov.u32 s11;
	s11 =	sadd.s32 $0x400, s11  }
0x121: {  	v2 =	vld [tilespmem:s12+$0x0]  }
0x122: {  	v3 =	vld [tilespmem:s12+$0x10]  }
0x123: {  	v4 =	vld [tilespmem:s12+$0x20]  }
0x124: {  	v5 =	vld [tilespmem:s12+$0x30]  }
0x125: {  	v6 =	vld [tilespmem:s12+$0x40]  }
0x126: {  	v7 =	vld [tilespmem:s12+$0x50];
	(xrf1) =	vunique.msk.u32 $0xffff, v2  }
0x127: {  	v8 =	vld [tilespmem:s12+$0x60];
	(xrf1) =	vunique.msk.u32 $0xffff, v3  }
0x128: {  	v9 =	vld [tilespmem:s12+$0x70];
	(xrf1) =	vunique.msk.u32 $0xffff, v4  }
0x129: {  	v10 =	vld [tilespmem:s12+$0x80];
	(xrf1) =	vunique.msk.u32 $0xffff, v5  }
0x12a: {  	v11 =	vld [tilespmem:s12+$0x90];
	(xrf1) =	vunique.msk.u32 $0xffff, v6  }
0x12b: {  	v12 =	vld [tilespmem:s12+$0xA0];
	(xrf1) =	vunique.msk.u32 $0xffff, v7  }
0x12c: {  	v13 =	vld [tilespmem:s12+$0xB0];
	(xrf1) =	vunique.msk.u32 $0xffff, v8  }
0x12d: {  	v14 =	vld [tilespmem:s12+$0xC0];
	(xrf1) =	vunique.msk.u32 $0xffff, v9  }
0x12e: {  	v15 =	vld [tilespmem:s12+$0xD0];
	(xrf1) =	vunique.msk.u32 $0xffff, v10  }
0x12f: {  	v16 =	vld [tilespmem:s12+$0xE0];
	(xrf1) =	vunique.msk.u32 $0xffff, v11  }
0x130: {  	v1 =	vld [tilespmem:s12+$0xF0];
	(xrf1) =	vunique.msk.u32 $0xffff, v12  }
0x131: {  	(xrf1) =	vunique.msk.u32 $0xffff, v13  }
0x132: {  	(xrf1) =	vunique.msk.u32 $0xffff, v14  }
0x133: {  	(xrf1) =	vunique.msk.u32 $0xffff, v15  }
0x134: {  	_, v17, vm0 =	vpop (xrf1);
	(xrf1) =	vunique.msk.u32 $0xffff, v16  }
0x135: {  	_, v18, vm1 =	vpop (xrf1);
	(xrf1) =	vunique.msk.u32 $0xffff, v1  }
0x136: {  	_, v19, vm2 =	vpop (xrf1)  }
0x137: {  	_, v20, vm3 =	vpop (xrf1)  }
0x138: {  	_, v21, vm4 =	vpop (xrf1)  }
0x139: {  	v23 =	vshll.u32 v17, $0x10;
	_, v22, vm5 =	vpop (xrf1)  }
0x13a: {  	[tilespmem:v2+s7+$0x0] =	vst.idx.add.s32.msk vm0, v23;
	v2 =	vshll.u32 v18, $0x10;
	_, v17, vm0 =	vpop (xrf1)  }
0x13b: {  	[tilespmem:v3+s7+$0x0] =	vst.idx.add.s32.msk vm1, v2;
	v2 =	vshll.u32 v19, $0x10;
	_, v3, vm1 =	vpop (xrf1)  }
0x13c: {  	[tilespmem:v4+s7+$0x0] =	vst.idx.add.s32.msk vm2, v2;
	v2 =	vshll.u32 v20, $0x10;
	_, v4, vm2 =	vpop (xrf1)  }
0x13d: {  	[tilespmem:v5+s7+$0x0] =	vst.idx.add.s32.msk vm3, v2;
	v2 =	vshll.u32 v21, $0x10;
	_, v5, vm3 =	vpop (xrf1)  }
0x13e: {  	[tilespmem:v6+s7+$0x0] =	vst.idx.add.s32.msk vm4, v2;
	v2 =	vshll.u32 v22, $0x10;
	_, v6, vm4 =	vpop (xrf1)  }
0x13f: {  	[tilespmem:v7+s7+$0x0] =	vst.idx.add.s32.msk vm5, v2;
	v2 =	vshll.u32 v17, $0x10;
	_, v7, vm5 =	vpop (xrf1)  }
0x140: {  	v17 =	vshll.u32 v3, $0x10;
	[tilespmem:v8+s7+$0x0] =	vst.idx.add.s32.msk vm0, v2;
	_, v3, vm6 =	vpop (xrf1)  }
0x141: {  	[tilespmem:v9+s7+$0x0] =	vst.idx.add.s32.msk vm1, v17;
	_, v8, vm1 =	vpop (xrf1)  }
0x142: {  	[tilespmem:v10+s7+$0x0] =	vst.idx.add.s32.msk vm2, v4;
	_, v4, vm2 =	vpop (xrf1)  }
0x143: {  	[tilespmem:v11+s7+$0x0] =	vst.idx.add.s32.msk vm3, v5;
	_, v2, vm0 =	vpop (xrf1)  }
.Ltmp7:
0x144: {  	[tilespmem:v12+s7+$0x0] =	vst.idx.add.s32.msk vm4, v6;
	(pc) =	sbr.rel @p1 .LBB2_10-.Ltmp7, $4  }
0x145: {  	[tilespmem:v13+s7+$0x0] =	vst.idx.add.s32.msk vm5, v7  }
0x146: {  	[tilespmem:v14+s7+$0x0] =	vst.idx.add.s32.msk vm6, v3  }
0x147: {  	[tilespmem:v15+s7+$0x0] =	vst.idx.add.s32.msk vm1, v8  }
0x148: {  	[tilespmem:v16+s7+$0x0] =	vst.idx.add.s32.msk vm2, v4  }
.Ltmp8:
0x149: {  	_ = 	snop;
	(pc) =	sbr.rel .LBB2_11-.Ltmp8, $1  }
0x14a: {  	_ =	sdelay $0x3  }
.LBB2_13:
0x14b: {  	_ =	sfence.sel $0x180000  }
0x14c: {  	[bflag:$0x0] =	sbarrier.arrive $0xFFFF  }
0x14d: {  	p0 =	sne.s32 s0, $0x0;
	_ =	strace $0x90000047  }
0x14e: {  	s0 =	sadd.s32 @!p0 $0x100000, s1;
	[bflag:$0x2] =	sbarrier.arrive $0xFFFF  }
0x14f: {  	[sflag:s0] =	ssyncadd.tile.s32 @!p0 $0x1;
	_ =	shalt  }
.Lfunc_end2:
_tile_overlayer_lowered:
.L_overlay_start_2:
0x150: {  	(tag) =	ssettag $0x2  }
0x151: {  	s0 =	rddreg [dreg:$0x0];
	s2 =	stileid.u32  }
0x152: {  	s1 =	rddreg [dreg:$0x1];
	p0 =	sne.s32 s2, $0x0  }
0x153: {  	s3 =	rddreg [dreg:$0x2];
	[bflag:$0x3] =	sbarrier.arrive $0xFFFF;
	s2 =	simm.s32 @!p0 $0x1C02  }
0x154: {  	[timem:s3], [sflag:s2] =	dma.local @!p0 [hbm:s0], s1  }
0x155: {  	s0 =	simm.s32 @!p0 $0x2  }
0x156: {  	_ =	swait.ge @!p0 [sflag:s0], s1  }
0x157: {  	s1 =	ssub.s32 @!p0 $0x0, s1;
	[sflag:s0] =	ssyncset.done @!p0 $0x0  }
0x158: {  	[sflag:s0] =	ssyncadd.s32 @!p0 s1  }
0x159: {  	[bflag:$0x3] =	sbarrier.arrive $0xFFFF  }
0x15a: {  	_ =	shalt  }

</sc_bundles>
